<compile_context>
chip_gen: v7x
topology: tpu7x:2x2x1
jax: 0.10.2.dev20260603
libtpu: 0.0.44.dev20260713+nightly
codegen_flags: <defaults>
</compile_context>

<pallas_src>
import functools
import math

import jax
import jax.numpy as jnp
from jax import lax
from jax.experimental import pallas as pl
from jax.experimental.pallas import tpu as pltpu
from jax.experimental.pallas import tpu_sc as plsc

_INFO = plsc.get_sparse_core_info()
_NC = _INFO.num_cores
_NS = _INFO.num_subcores
_NW = _NC * _NS
_L = _INFO.num_lanes

_G = 128
_GPC = 2
_CHUNK = _G * _GPC
_NBUF = 4


@functools.partial(jax.jit, static_argnames=("n_chunks",))
def _run(idx2d, table, n_chunks):
    d = table.shape[1]
    b = idx2d.shape[0] * _G
    irows_pw = n_chunks * _GPC

    @functools.partial(
        pl.kernel,
        out_type=jax.ShapeDtypeStruct((b, d), jnp.float32),
        mesh=plsc.VectorSubcoreMesh(core_axis_name="c", subcore_axis_name="s"),
        scratch_types=[
            pltpu.VMEM((irows_pw, _G), jnp.int32),
            [pltpu.VMEM((_CHUNK, d), jnp.float32) for _ in range(_NBUF)],
            [pltpu.SemaphoreType.DMA for _ in range(_NBUF)],
            [pltpu.SemaphoreType.DMA for _ in range(_NBUF)],
        ],
        compiler_params=pltpu.CompilerParams(use_tc_tiling_on_sc=False),
    )
    def emb(idx_hbm, table_hbm, out_hbm, idx_v, rows, gsems, ssems):
        wid = lax.axis_index("s") * _NC + lax.axis_index("c")
        scale = jnp.float32(math.sqrt(d))
        pltpu.sync_copy(idx_hbm.at[pl.ds(wid * irows_pw, irows_pw)], idx_v)

        def fire_gathers(cc, bi):
            for j in range(_GPC):
                pltpu.async_copy(
                    table_hbm.at[idx_v.at[cc * _GPC + j]],
                    rows[bi].at[pl.ds(j * _G, _G)],
                    gsems[bi],
                )

        def drain_gathers(bi):
            pltpu.make_async_copy(
                table_hbm.at[pl.ds(0, _CHUNK)], rows[bi], gsems[bi]
            ).wait()

        def drain_scatter(bi):
            pltpu.make_async_copy(
                rows[bi], out_hbm.at[pl.ds(0, _CHUNK)], ssems[bi]
            ).wait()

        fire_gathers(0, 0)
        fire_gathers(1, 1)

        @pl.loop(0, n_chunks, step=_NBUF)
        def _step(c):
            for bi in range(_NBUF):
                cc = c + bi
                drain_gathers(bi)

                nbi = (bi + 2) % _NBUF

                @pl.when(cc + 2 < n_chunks)
                def _prefetch():
                    @pl.when(cc >= 2)
                    def _free():
                        drain_scatter(nbi)

                    fire_gathers(cc + 2, nbi)

                @plsc.parallel_loop(0, _CHUNK, unroll=8)
                def _scale(r):
                    for q in range(d // _L):
                        sl = pl.ds(q * _L, _L)
                        rows[bi][r, sl] = rows[bi][r, sl] * scale

                pltpu.async_copy(
                    rows[bi],
                    out_hbm.at[pl.ds((wid * n_chunks + cc) * _CHUNK, _CHUNK)],
                    ssems[bi],
                )

        for bi in range(_NBUF):
            drain_scatter(bi)

    return emb(idx2d, table)


def kernel(x, table):
    batch, hist = x.shape
    d = table.shape[1]
    b = batch * hist
    assert b % (_NW * _CHUNK * _NBUF) == 0 and d % _L == 0
    idx2d = x.astype(jnp.int32).reshape(b // _G, _G)
    n_chunks = b // (_NW * _CHUNK)
    out = _run(idx2d, table, n_chunks)
    return out.reshape(batch, hist, d)

# --- scband reference (transcript-rebuilt; emitter-appended) ---
"""Pipeline reference for scband-embedding-57303453663616 (READ-ONLY COPY).

The authoritative reference and input builder live on the scoring server;
editing this copy changes nothing except your own understanding.
"""

import math
import jax, jax.numpy as jnp
import numpy as np

VOCAB = 1000000
D_MODEL = 64
BATCH = 16384
HIST = 50


def setup_inputs(seed: int = 0) -> dict:
    key = jax.random.key(seed)
    k_idx, k_tab = jax.random.split(key)
    x = jax.random.randint(k_idx, (BATCH, HIST), 0, VOCAB, dtype=jnp.int64 if jax.config.jax_enable_x64 else jnp.int32)
    # nn.Embedding default init: N(0, 1)
    table = jax.random.normal(k_tab, (VOCAB, D_MODEL), dtype=jnp.float32)
    return {"x": x, "table": table}


def reference(x, table):
    # Embedding lookup followed by scaling with sqrt(d_model)
    emb = jnp.take(table, x, axis=0)
    return emb * math.sqrt(D_MODEL)

if __name__ == "__main__":
    import jax
    _d = setup_inputs()
    print(jax.jit(kernel)(*tuple(_d.values())))

</pallas_src>

<mosaic_0001>
#map = affine_map<(d0, d1) -> (0, 0)>
module attributes {stable_mosaic.version = 14 : i64} {
  func.func @emb(%arg0: i32, %arg1: i32, %arg2: memref<6400x128xi32, #tpu.memory_space<hbm>>, %arg3: memref<1000000x64xf32, #tpu.memory_space<hbm>>, %arg4: memref<819200x64xf32, #tpu.memory_space<hbm>>, %arg5: memref<200x128xi32, #tpu.memory_space<vmem>>, %arg6: memref<256x64xf32, #tpu.memory_space<vmem>>, %arg7: memref<256x64xf32, #tpu.memory_space<vmem>>, %arg8: memref<256x64xf32, #tpu.memory_space<vmem>>, %arg9: memref<256x64xf32, #tpu.memory_space<vmem>>, %arg10: memref<!tpu.dma_semaphore, #tpu.memory_space<semaphore_mem>>, %arg11: memref<!tpu.dma_semaphore, #tpu.memory_space<semaphore_mem>>, %arg12: memref<!tpu.dma_semaphore, #tpu.memory_space<semaphore_mem>>, %arg13: memref<!tpu.dma_semaphore, #tpu.memory_space<semaphore_mem>>, %arg14: memref<!tpu.dma_semaphore, #tpu.memory_space<semaphore_mem>>, %arg15: memref<!tpu.dma_semaphore, #tpu.memory_space<semaphore_mem>>, %arg16: memref<!tpu.dma_semaphore, #tpu.memory_space<semaphore_mem>>, %arg17: memref<!tpu.dma_semaphore, #tpu.memory_space<semaphore_mem>>) attributes {dimension_semantics = [#tpu.dimension_semantics<core_parallel>, #tpu.dimension_semantics<subcore_parallel>], iteration_bounds = array<i64: 2, 16>, scalar_prefetch = 0 : i64, scratch_operands = 13 : i64, tpu.core_type = #tpu.core_type<sc_vector_subcore>, window_params = [{transform_indices = #map}, {transform_indices = #map}, {transform_indices = #map}]} {
    %mul3A = arith.constant 2 : i32
    %mul3A_0 = arith.muli %arg1, %mul3A : i32
    %add3A = arith.addi %mul3A_0, %arg0 : i32
    %mul3A_1 = arith.constant 200 : i32
    %mul3A_2 = arith.muli %add3A, %mul3A_1 : i32
    "tpu.region"() ({
      %run_scoped3A = tpu.sem_alloc : memref<!tpu.dma_semaphore, #tpu.memory_space<semaphore_mem>>
      %dma_start3A_70 = arith.constant 0 : i32
      %dma_start3A_71 = tpu.memref_slice %arg2[%mul3A_2, %dma_start3A_70] : memref<6400x128xi32, #tpu.memory_space<hbm>> -> memref<200x128xi32, #tpu.memory_space<hbm>>
      %dma_start3A_72 = arith.constant 0 : i32
      %dma_start3A_73 = tpu.memref_slice %arg2[%mul3A_2, %dma_start3A_72] : memref<6400x128xi32, #tpu.memory_space<hbm>> -> memref<200x128xi32, #tpu.memory_space<hbm>>
      tpu.enqueue_dma source(%dma_start3A_73 : memref<200x128xi32, #tpu.memory_space<hbm>>) target(%arg5 : memref<200x128xi32, #tpu.memory_space<vmem>>) target_semaphore(%run_scoped3A : memref<!tpu.dma_semaphore, #tpu.memory_space<semaphore_mem>>)
      %dma_wait3A_74 = arith.constant 0 : i32
      %dma_wait3A_75 = tpu.memref_slice %arg2[%mul3A_2, %dma_wait3A_74] : memref<6400x128xi32, #tpu.memory_space<hbm>> -> memref<200x128xi32, #tpu.memory_space<hbm>>
      %dma_wait3A_76 = arith.constant 0 : i32
      %dma_wait3A_77 = tpu.memref_slice %arg2[%mul3A_2, %dma_wait3A_76] : memref<6400x128xi32, #tpu.memory_space<hbm>> -> memref<200x128xi32, #tpu.memory_space<hbm>>
      tpu.wait_dma2 semaphore(%run_scoped3A : memref<!tpu.dma_semaphore, #tpu.memory_space<semaphore_mem>>) src(%dma_wait3A_77 : memref<200x128xi32, #tpu.memory_space<hbm>>) dst(%arg5 : memref<200x128xi32, #tpu.memory_space<vmem>>)
      tpu.yield
    }) : () -> ()
    %dma_start3A = arith.constant 0 : i32
    %dma_start3A_3 = arith.constant 0 : i32
    %dma_start3A_4 = arith.constant 0 : i32
    %dma_start3A_5 = tpu.memref_slice %arg6[%dma_start3A_3, %dma_start3A_4] : memref<256x64xf32, #tpu.memory_space<vmem>> -> memref<128x64xf32, #tpu.memory_space<vmem>>
    %dma_start3A_6 = arith.constant 0 : i32
    %dma_start3A_7 = tpu.memref_slice %arg5[%dma_start3A, %dma_start3A_6] : memref<200x128xi32, #tpu.memory_space<vmem>> -> memref<1x128xi32, #tpu.memory_space<vmem>>
    %dma_start3A_8 = tpu.memref_squeeze %dma_start3A_7 : memref<1x128xi32, #tpu.memory_space<vmem>> -> memref<128xi32, #tpu.memory_space<vmem>>
    %dma_start3A_9 = arith.constant 0 : i32
    %dma_start3A_10 = arith.constant 0 : i32
    %dma_start3A_11 = tpu.memref_slice %arg3[%dma_start3A_9, %dma_start3A_10] : memref<1000000x64xf32, #tpu.memory_space<hbm>> -> memref<1000000x64xf32, #tpu.memory_space<hbm>>
    tpu.enqueue_indirect_dma source(%dma_start3A_11 : memref<1000000x64xf32, #tpu.memory_space<hbm>>) target(%dma_start3A_5 : memref<128x64xf32, #tpu.memory_space<vmem>>) offsets(%dma_start3A_8 : memref<128xi32, #tpu.memory_space<vmem>>) semaphore(%arg10 : memref<!tpu.dma_semaphore, #tpu.memory_space<semaphore_mem>>)
    %dma_start3A_12 = arith.constant 1 : i32
    %dma_start3A_13 = arith.constant 128 : i32
    %dma_start3A_14 = arith.constant 0 : i32
    %dma_start3A_15 = tpu.memref_slice %arg6[%dma_start3A_13, %dma_start3A_14] : memref<256x64xf32, #tpu.memory_space<vmem>> -> memref<128x64xf32, #tpu.memory_space<vmem>>
    %dma_start3A_16 = arith.constant 0 : i32
    %dma_start3A_17 = tpu.memref_slice %arg5[%dma_start3A_12, %dma_start3A_16] : memref<200x128xi32, #tpu.memory_space<vmem>> -> memref<1x128xi32, #tpu.memory_space<vmem>>
    %dma_start3A_18 = tpu.memref_squeeze %dma_start3A_17 : memref<1x128xi32, #tpu.memory_space<vmem>> -> memref<128xi32, #tpu.memory_space<vmem>>
    %dma_start3A_19 = arith.constant 0 : i32
    %dma_start3A_20 = arith.constant 0 : i32
    %dma_start3A_21 = tpu.memref_slice %arg3[%dma_start3A_19, %dma_start3A_20] : memref<1000000x64xf32, #tpu.memory_space<hbm>> -> memref<1000000x64xf32, #tpu.memory_space<hbm>>
    tpu.enqueue_indirect_dma source(%dma_start3A_21 : memref<1000000x64xf32, #tpu.memory_space<hbm>>) target(%dma_start3A_15 : memref<128x64xf32, #tpu.memory_space<vmem>>) offsets(%dma_start3A_18 : memref<128xi32, #tpu.memory_space<vmem>>) semaphore(%arg10 : memref<!tpu.dma_semaphore, #tpu.memory_space<semaphore_mem>>)
    %dma_start3A_22 = arith.constant 2 : i32
    %dma_start3A_23 = arith.constant 0 : i32
    %dma_start3A_24 = arith.constant 0 : i32
    %dma_start3A_25 = tpu.memref_slice %arg7[%dma_start3A_23, %dma_start3A_24] : memref<256x64xf32, #tpu.memory_space<vmem>> -> memref<128x64xf32, #tpu.memory_space<vmem>>
    %dma_start3A_26 = arith.constant 0 : i32
    %dma_start3A_27 = tpu.memref_slice %arg5[%dma_start3A_22, %dma_start3A_26] : memref<200x128xi32, #tpu.memory_space<vmem>> -> memref<1x128xi32, #tpu.memory_space<vmem>>
    %dma_start3A_28 = tpu.memref_squeeze %dma_start3A_27 : memref<1x128xi32, #tpu.memory_space<vmem>> -> memref<128xi32, #tpu.memory_space<vmem>>
    %dma_start3A_29 = arith.constant 0 : i32
    %dma_start3A_30 = arith.constant 0 : i32
    %dma_start3A_31 = tpu.memref_slice %arg3[%dma_start3A_29, %dma_start3A_30] : memref<1000000x64xf32, #tpu.memory_space<hbm>> -> memref<1000000x64xf32, #tpu.memory_space<hbm>>
    tpu.enqueue_indirect_dma source(%dma_start3A_31 : memref<1000000x64xf32, #tpu.memory_space<hbm>>) target(%dma_start3A_25 : memref<128x64xf32, #tpu.memory_space<vmem>>) offsets(%dma_start3A_28 : memref<128xi32, #tpu.memory_space<vmem>>) semaphore(%arg11 : memref<!tpu.dma_semaphore, #tpu.memory_space<semaphore_mem>>)
    %dma_start3A_32 = arith.constant 3 : i32
    %dma_start3A_33 = arith.constant 128 : i32
    %dma_start3A_34 = arith.constant 0 : i32
    %dma_start3A_35 = tpu.memref_slice %arg7[%dma_start3A_33, %dma_start3A_34] : memref<256x64xf32, #tpu.memory_space<vmem>> -> memref<128x64xf32, #tpu.memory_space<vmem>>
    %dma_start3A_36 = arith.constant 0 : i32
    %dma_start3A_37 = tpu.memref_slice %arg5[%dma_start3A_32, %dma_start3A_36] : memref<200x128xi32, #tpu.memory_space<vmem>> -> memref<1x128xi32, #tpu.memory_space<vmem>>
    %dma_start3A_38 = tpu.memref_squeeze %dma_start3A_37 : memref<1x128xi32, #tpu.memory_space<vmem>> -> memref<128xi32, #tpu.memory_space<vmem>>
    %dma_start3A_39 = arith.constant 0 : i32
    %dma_start3A_40 = arith.constant 0 : i32
    %dma_start3A_41 = tpu.memref_slice %arg3[%dma_start3A_39, %dma_start3A_40] : memref<1000000x64xf32, #tpu.memory_space<hbm>> -> memref<1000000x64xf32, #tpu.memory_space<hbm>>
    tpu.enqueue_indirect_dma source(%dma_start3A_41 : memref<1000000x64xf32, #tpu.memory_space<hbm>>) target(%dma_start3A_35 : memref<128x64xf32, #tpu.memory_space<vmem>>) offsets(%dma_start3A_38 : memref<128xi32, #tpu.memory_space<vmem>>) semaphore(%arg11 : memref<!tpu.dma_semaphore, #tpu.memory_space<semaphore_mem>>)
    %scan3A = arith.constant 8.000000e+00 : f32
    %scan3A_42 = arith.constant 0 : i32
    %scan3A_43 = arith.constant 25 : i32
    %scan3A_44 = arith.addi %scan3A_42, %scan3A_43 : i32
    %scan3A_45 = arith.constant 1 : i32
    scf.for %scan3A_70 = %scan3A_42 to %scan3A_44 step %scan3A_45  : i32 {
      %mul3A_71 = arith.constant 4 : i32
      %mul3A_72 = arith.muli %scan3A_70, %mul3A_71 : i32
      %add3A_73 = arith.constant 0 : i32
      %add3A_74 = arith.addi %add3A_73, %mul3A_72 : i32
      %add3A_75 = arith.constant 0 : i32
      %add3A_76 = arith.addi %add3A_74, %add3A_75 : i32
      %dma_wait3A_77 = arith.constant 0 : i32
      %dma_wait3A_78 = arith.constant 0 : i32
      %dma_wait3A_79 = tpu.memref_slice %arg3[%dma_wait3A_77, %dma_wait3A_78] : memref<1000000x64xf32, #tpu.memory_space<hbm>> -> memref<256x64xf32, #tpu.memory_space<hbm>>
      %dma_wait3A_80 = arith.constant 0 : i32
      %dma_wait3A_81 = arith.constant 0 : i32
      %dma_wait3A_82 = tpu.memref_slice %arg3[%dma_wait3A_80, %dma_wait3A_81] : memref<1000000x64xf32, #tpu.memory_space<hbm>> -> memref<256x64xf32, #tpu.memory_space<hbm>>
      tpu.wait_dma2 semaphore(%arg10 : memref<!tpu.dma_semaphore, #tpu.memory_space<semaphore_mem>>) src(%dma_wait3A_82 : memref<256x64xf32, #tpu.memory_space<hbm>>) dst(%arg6 : memref<256x64xf32, #tpu.memory_space<vmem>>)
      %add3A_83 = arith.constant 2 : i32
      %add3A_84 = arith.addi %add3A_76, %add3A_83 : i32
      %lt3A = arith.constant 100 : i32
      %lt3A_85 = arith.cmpi slt, %add3A_84, %lt3A : i32
      %convert_element_type3A = arith.extui %lt3A_85 : i1 to i32
      %cond3A = arith.constant 0 : i32
      %cond3A_86 = arith.cmpi ne, %convert_element_type3A, %cond3A : i32
      scf.if %cond3A_86 {
        %ge3A = arith.constant 2 : i32
        %ge3A_179 = arith.cmpi sge, %add3A_76, %ge3A : i32
        %convert_element_type3A_180 = arith.extui %ge3A_179 : i1 to i32
        %cond3A_181 = arith.constant 0 : i32
        %cond3A_182 = arith.cmpi ne, %convert_element_type3A_180, %cond3A_181 : i32
        scf.if %cond3A_182 {
          %dma_wait3A_211 = arith.constant 0 : i32
          %dma_wait3A_212 = arith.constant 0 : i32
          %dma_wait3A_213 = tpu.memref_slice %arg4[%dma_wait3A_211, %dma_wait3A_212] : memref<819200x64xf32, #tpu.memory_space<hbm>> -> memref<256x64xf32, #tpu.memory_space<hbm>>
          %dma_wait3A_214 = arith.constant 0 : i32
          %dma_wait3A_215 = arith.constant 0 : i32
          %dma_wait3A_216 = tpu.memref_slice %arg4[%dma_wait3A_214, %dma_wait3A_215] : memref<819200x64xf32, #tpu.memory_space<hbm>> -> memref<256x64xf32, #tpu.memory_space<hbm>>
          tpu.wait_dma2 semaphore(%arg16 : memref<!tpu.dma_semaphore, #tpu.memory_space<semaphore_mem>>) src(%arg8 : memref<256x64xf32, #tpu.memory_space<vmem>>) dst(%dma_wait3A_216 : memref<256x64xf32, #tpu.memory_space<hbm>>)
        } else {
        }
        %add3A_183 = arith.constant 2 : i32
        %add3A_184 = arith.addi %add3A_76, %add3A_183 : i32
        %mul3A_185 = arith.constant 2 : i32
        %mul3A_186 = arith.muli %add3A_184, %mul3A_185 : i32
        %add3A_187 = arith.constant 0 : i32
        %add3A_188 = arith.addi %mul3A_186, %add3A_187 : i32
        %dma_start3A_189 = arith.constant 0 : i32
        %dma_start3A_190 = arith.constant 0 : i32
        %dma_start3A_191 = tpu.memref_slice %arg8[%dma_start3A_189, %dma_start3A_190] : memref<256x64xf32, #tpu.memory_space<vmem>> -> memref<128x64xf32, #tpu.memory_space<vmem>>
        %dma_start3A_192 = arith.constant 0 : i32
        %dma_start3A_193 = tpu.memref_slice %arg5[%add3A_188, %dma_start3A_192] : memref<200x128xi32, #tpu.memory_space<vmem>> -> memref<1x128xi32, #tpu.memory_space<vmem>>
        %dma_start3A_194 = tpu.memref_squeeze %dma_start3A_193 : memref<1x128xi32, #tpu.memory_space<vmem>> -> memref<128xi32, #tpu.memory_space<vmem>>
        %dma_start3A_195 = arith.constant 0 : i32
        %dma_start3A_196 = arith.constant 0 : i32
        %dma_start3A_197 = tpu.memref_slice %arg3[%dma_start3A_195, %dma_start3A_196] : memref<1000000x64xf32, #tpu.memory_space<hbm>> -> memref<1000000x64xf32, #tpu.memory_space<hbm>>
        tpu.enqueue_indirect_dma source(%dma_start3A_197 : memref<1000000x64xf32, #tpu.memory_space<hbm>>) target(%dma_start3A_191 : memref<128x64xf32, #tpu.memory_space<vmem>>) offsets(%dma_start3A_194 : memref<128xi32, #tpu.memory_space<vmem>>) semaphore(%arg12 : memref<!tpu.dma_semaphore, #tpu.memory_space<semaphore_mem>>)
        %mul3A_198 = arith.constant 2 : i32
        %mul3A_199 = arith.muli %add3A_184, %mul3A_198 : i32
        %add3A_200 = arith.constant 1 : i32
        %add3A_201 = arith.addi %mul3A_199, %add3A_200 : i32
        %dma_start3A_202 = arith.constant 128 : i32
        %dma_start3A_203 = arith.constant 0 : i32
        %dma_start3A_204 = tpu.memref_slice %arg8[%dma_start3A_202, %dma_start3A_203] : memref<256x64xf32, #tpu.memory_space<vmem>> -> memref<128x64xf32, #tpu.memory_space<vmem>>
        %dma_start3A_205 = arith.constant 0 : i32
        %dma_start3A_206 = tpu.memref_slice %arg5[%add3A_201, %dma_start3A_205] : memref<200x128xi32, #tpu.memory_space<vmem>> -> memref<1x128xi32, #tpu.memory_space<vmem>>
        %dma_start3A_207 = tpu.memref_squeeze %dma_start3A_206 : memref<1x128xi32, #tpu.memory_space<vmem>> -> memref<128xi32, #tpu.memory_space<vmem>>
        %dma_start3A_208 = arith.constant 0 : i32
        %dma_start3A_209 = arith.constant 0 : i32
        %dma_start3A_210 = tpu.memref_slice %arg3[%dma_start3A_208, %dma_start3A_209] : memref<1000000x64xf32, #tpu.memory_space<hbm>> -> memref<1000000x64xf32, #tpu.memory_space<hbm>>
        tpu.enqueue_indirect_dma source(%dma_start3A_210 : memref<1000000x64xf32, #tpu.memory_space<hbm>>) target(%dma_start3A_204 : memref<128x64xf32, #tpu.memory_space<vmem>>) offsets(%dma_start3A_207 : memref<128xi32, #tpu.memory_space<vmem>>) semaphore(%arg12 : memref<!tpu.dma_semaphore, #tpu.memory_space<semaphore_mem>>)
      } else {
      }
      %parallel_loop3A = arith.constant 0 : i32
      %parallel_loop3A_87 = arith.constant 256 : i32
      %parallel_loop3A_88 = arith.constant 1 : i32
      scf.for %parallel_loop3A_179 = %parallel_loop3A to %parallel_loop3A_87 step %parallel_loop3A_88  : i32 {
        %parallel_loop3A_180 = arith.index_cast %parallel_loop3A_179 : i32 to index
        %parallel_loop3A_181 = arith.constant 0 : index
        %parallel_loop3A_182 = tpu.vector_load %arg6[%parallel_loop3A_180, %parallel_loop3A_181] {strides = array<i32>} : memref<256x64xf32, #tpu.memory_space<vmem>>, vector<1x16xf32>,
        %parallel_loop3A_183 = vector.shape_cast %parallel_loop3A_182 : vector<1x16xf32> to vector<16xf32>
        %parallel_loop3A_184 = vector.broadcast %scan3A : f32 to vector<16xf32>
        %parallel_loop3A_185 = arith.mulf %parallel_loop3A_183, %parallel_loop3A_184 : vector<16xf32>
        %parallel_loop3A_186 = arith.index_cast %parallel_loop3A_179 : i32 to index
        %parallel_loop3A_187 = arith.constant 0 : index
        %parallel_loop3A_188 = tpu.vector_load %arg6[%parallel_loop3A_186, %parallel_loop3A_187] {strides = array<i32>} : memref<256x64xf32, #tpu.memory_space<vmem>>, vector<1x16xf32>,
        %parallel_loop3A_189 = vector.shape_cast %parallel_loop3A_188 : vector<1x16xf32> to vector<16xf32>
        %parallel_loop3A_190 = vector.shape_cast %parallel_loop3A_185 : vector<16xf32> to vector<1x16xf32>
        tpu.vector_store %arg6[%parallel_loop3A_186, %parallel_loop3A_187], %parallel_loop3A_190 {strides = array<i32>} : memref<256x64xf32, #tpu.memory_space<vmem>>, vector<1x16xf32>,
        %parallel_loop3A_191 = arith.index_cast %parallel_loop3A_179 : i32 to index
        %parallel_loop3A_192 = arith.constant 16 : index
        %parallel_loop3A_193 = tpu.vector_load %arg6[%parallel_loop3A_191, %parallel_loop3A_192] {strides = array<i32>} : memref<256x64xf32, #tpu.memory_space<vmem>>, vector<1x16xf32>,
        %parallel_loop3A_194 = vector.shape_cast %parallel_loop3A_193 : vector<1x16xf32> to vector<16xf32>
        %parallel_loop3A_195 = vector.broadcast %scan3A : f32 to vector<16xf32>
        %parallel_loop3A_196 = arith.mulf %parallel_loop3A_194, %parallel_loop3A_195 : vector<16xf32>
        %parallel_loop3A_197 = arith.index_cast %parallel_loop3A_179 : i32 to index
        %parallel_loop3A_198 = arith.constant 16 : index
        %parallel_loop3A_199 = tpu.vector_load %arg6[%parallel_loop3A_197, %parallel_loop3A_198] {strides = array<i32>} : memref<256x64xf32, #tpu.memory_space<vmem>>, vector<1x16xf32>,
        %parallel_loop3A_200 = vector.shape_cast %parallel_loop3A_199 : vector<1x16xf32> to vector<16xf32>
        %parallel_loop3A_201 = vector.shape_cast %parallel_loop3A_196 : vector<16xf32> to vector<1x16xf32>
        tpu.vector_store %arg6[%parallel_loop3A_197, %parallel_loop3A_198], %parallel_loop3A_201 {strides = array<i32>} : memref<256x64xf32, #tpu.memory_space<vmem>>, vector<1x16xf32>,
        %parallel_loop3A_202 = arith.index_cast %parallel_loop3A_179 : i32 to index
        %parallel_loop3A_203 = arith.constant 32 : index
        %parallel_loop3A_204 = tpu.vector_load %arg6[%parallel_loop3A_202, %parallel_loop3A_203] {strides = array<i32>} : memref<256x64xf32, #tpu.memory_space<vmem>>, vector<1x16xf32>,
        %parallel_loop3A_205 = vector.shape_cast %parallel_loop3A_204 : vector<1x16xf32> to vector<16xf32>
        %parallel_loop3A_206 = vector.broadcast %scan3A : f32 to vector<16xf32>
        %parallel_loop3A_207 = arith.mulf %parallel_loop3A_205, %parallel_loop3A_206 : vector<16xf32>
        %parallel_loop3A_208 = arith.index_cast %parallel_loop3A_179 : i32 to index
        %parallel_loop3A_209 = arith.constant 32 : index
        %parallel_loop3A_210 = tpu.vector_load %arg6[%parallel_loop3A_208, %parallel_loop3A_209] {strides = array<i32>} : memref<256x64xf32, #tpu.memory_space<vmem>>, vector<1x16xf32>,
        %parallel_loop3A_211 = vector.shape_cast %parallel_loop3A_210 : vector<1x16xf32> to vector<16xf32>
        %parallel_loop3A_212 = vector.shape_cast %parallel_loop3A_207 : vector<16xf32> to vector<1x16xf32>
        tpu.vector_store %arg6[%parallel_loop3A_208, %parallel_loop3A_209], %parallel_loop3A_212 {strides = array<i32>} : memref<256x64xf32, #tpu.memory_space<vmem>>, vector<1x16xf32>,
        %parallel_loop3A_213 = arith.index_cast %parallel_loop3A_179 : i32 to index
        %parallel_loop3A_214 = arith.constant 48 : index
        %parallel_loop3A_215 = tpu.vector_load %arg6[%parallel_loop3A_213, %parallel_loop3A_214] {strides = array<i32>} : memref<256x64xf32, #tpu.memory_space<vmem>>, vector<1x16xf32>,
        %parallel_loop3A_216 = vector.shape_cast %parallel_loop3A_215 : vector<1x16xf32> to vector<16xf32>
        %parallel_loop3A_217 = vector.broadcast %scan3A : f32 to vector<16xf32>
        %parallel_loop3A_218 = arith.mulf %parallel_loop3A_216, %parallel_loop3A_217 : vector<16xf32>
        %parallel_loop3A_219 = arith.index_cast %parallel_loop3A_179 : i32 to index
        %parallel_loop3A_220 = arith.constant 48 : index
        %parallel_loop3A_221 = tpu.vector_load %arg6[%parallel_loop3A_219, %parallel_loop3A_220] {strides = array<i32>} : memref<256x64xf32, #tpu.memory_space<vmem>>, vector<1x16xf32>,
        %parallel_loop3A_222 = vector.shape_cast %parallel_loop3A_221 : vector<1x16xf32> to vector<16xf32>
        %parallel_loop3A_223 = vector.shape_cast %parallel_loop3A_218 : vector<16xf32> to vector<1x16xf32>
        tpu.vector_store %arg6[%parallel_loop3A_219, %parallel_loop3A_220], %parallel_loop3A_223 {strides = array<i32>} : memref<256x64xf32, #tpu.memory_space<vmem>>, vector<1x16xf32>,
      } {sc.loop_unroll_factor = 8 : i64, sc.parallel_access}
      %mul3A_89 = arith.constant 100 : i32
      %mul3A_90 = arith.muli %add3A, %mul3A_89 : i32
      %add3A_91 = arith.addi %mul3A_90, %add3A_76 : i32
      %mul3A_92 = arith.constant 256 : i32
      %mul3A_93 = arith.muli %add3A_91, %mul3A_92 : i32
      %dma_start3A_94 = arith.constant 0 : i32
      %dma_start3A_95 = tpu.memref_slice %arg4[%mul3A_93, %dma_start3A_94] : memref<819200x64xf32, #tpu.memory_space<hbm>> -> memref<256x64xf32, #tpu.memory_space<hbm>>
      %dma_start3A_96 = arith.constant 0 : i32
      %dma_start3A_97 = tpu.memref_slice %arg4[%mul3A_93, %dma_start3A_96] : memref<819200x64xf32, #tpu.memory_space<hbm>> -> memref<256x64xf32, #tpu.memory_space<hbm>>
      tpu.enqueue_dma source(%arg6 : memref<256x64xf32, #tpu.memory_space<vmem>>) target(%dma_start3A_97 : memref<256x64xf32, #tpu.memory_space<hbm>>) target_semaphore(%arg14 : memref<!tpu.dma_semaphore, #tpu.memory_space<semaphore_mem>>)
      %add3A_98 = arith.constant 1 : i32
      %add3A_99 = arith.addi %add3A_74, %add3A_98 : i32
      %dma_wait3A_100 = arith.constant 0 : i32
      %dma_wait3A_101 = arith.constant 0 : i32
      %dma_wait3A_102 = tpu.memref_slice %arg3[%dma_wait3A_100, %dma_wait3A_101] : memref<1000000x64xf32, #tpu.memory_space<hbm>> -> memref<256x64xf32, #tpu.memory_space<hbm>>
      %dma_wait3A_103 = arith.constant 0 : i32
      %dma_wait3A_104 = arith.constant 0 : i32
      %dma_wait3A_105 = tpu.memref_slice %arg3[%dma_wait3A_103, %dma_wait3A_104] : memref<1000000x64xf32, #tpu.memory_space<hbm>> -> memref<256x64xf32, #tpu.memory_space<hbm>>
      tpu.wait_dma2 semaphore(%arg11 : memref<!tpu.dma_semaphore, #tpu.memory_space<semaphore_mem>>) src(%dma_wait3A_105 : memref<256x64xf32, #tpu.memory_space<hbm>>) dst(%arg7 : memref<256x64xf32, #tpu.memory_space<vmem>>)
      %add3A_106 = arith.constant 2 : i32
      %add3A_107 = arith.addi %add3A_99, %add3A_106 : i32
      %lt3A_108 = arith.constant 100 : i32
      %lt3A_109 = arith.cmpi slt, %add3A_107, %lt3A_108 : i32
      %convert_element_type3A_110 = arith.extui %lt3A_109 : i1 to i32
      %cond3A_111 = arith.constant 0 : i32
      %cond3A_112 = arith.cmpi ne, %convert_element_type3A_110, %cond3A_111 : i32
      scf.if %cond3A_112 {
        %ge3A = arith.constant 2 : i32
        %ge3A_179 = arith.cmpi sge, %add3A_99, %ge3A : i32
        %convert_element_type3A_180 = arith.extui %ge3A_179 : i1 to i32
        %cond3A_181 = arith.constant 0 : i32
        %cond3A_182 = arith.cmpi ne, %convert_element_type3A_180, %cond3A_181 : i32
        scf.if %cond3A_182 {
          %dma_wait3A_211 = arith.constant 0 : i32
          %dma_wait3A_212 = arith.constant 0 : i32
          %dma_wait3A_213 = tpu.memref_slice %arg4[%dma_wait3A_211, %dma_wait3A_212] : memref<819200x64xf32, #tpu.memory_space<hbm>> -> memref<256x64xf32, #tpu.memory_space<hbm>>
          %dma_wait3A_214 = arith.constant 0 : i32
          %dma_wait3A_215 = arith.constant 0 : i32
          %dma_wait3A_216 = tpu.memref_slice %arg4[%dma_wait3A_214, %dma_wait3A_215] : memref<819200x64xf32, #tpu.memory_space<hbm>> -> memref<256x64xf32, #tpu.memory_space<hbm>>
          tpu.wait_dma2 semaphore(%arg17 : memref<!tpu.dma_semaphore, #tpu.memory_space<semaphore_mem>>) src(%arg9 : memref<256x64xf32, #tpu.memory_space<vmem>>) dst(%dma_wait3A_216 : memref<256x64xf32, #tpu.memory_space<hbm>>)
        } else {
        }
        %add3A_183 = arith.constant 2 : i32
        %add3A_184 = arith.addi %add3A_99, %add3A_183 : i32
        %mul3A_185 = arith.constant 2 : i32
        %mul3A_186 = arith.muli %add3A_184, %mul3A_185 : i32
        %add3A_187 = arith.constant 0 : i32
        %add3A_188 = arith.addi %mul3A_186, %add3A_187 : i32
        %dma_start3A_189 = arith.constant 0 : i32
        %dma_start3A_190 = arith.constant 0 : i32
        %dma_start3A_191 = tpu.memref_slice %arg9[%dma_start3A_189, %dma_start3A_190] : memref<256x64xf32, #tpu.memory_space<vmem>> -> memref<128x64xf32, #tpu.memory_space<vmem>>
        %dma_start3A_192 = arith.constant 0 : i32
        %dma_start3A_193 = tpu.memref_slice %arg5[%add3A_188, %dma_start3A_192] : memref<200x128xi32, #tpu.memory_space<vmem>> -> memref<1x128xi32, #tpu.memory_space<vmem>>
        %dma_start3A_194 = tpu.memref_squeeze %dma_start3A_193 : memref<1x128xi32, #tpu.memory_space<vmem>> -> memref<128xi32, #tpu.memory_space<vmem>>
        %dma_start3A_195 = arith.constant 0 : i32
        %dma_start3A_196 = arith.constant 0 : i32
        %dma_start3A_197 = tpu.memref_slice %arg3[%dma_start3A_195, %dma_start3A_196] : memref<1000000x64xf32, #tpu.memory_space<hbm>> -> memref<1000000x64xf32, #tpu.memory_space<hbm>>
        tpu.enqueue_indirect_dma source(%dma_start3A_197 : memref<1000000x64xf32, #tpu.memory_space<hbm>>) target(%dma_start3A_191 : memref<128x64xf32, #tpu.memory_space<vmem>>) offsets(%dma_start3A_194 : memref<128xi32, #tpu.memory_space<vmem>>) semaphore(%arg13 : memref<!tpu.dma_semaphore, #tpu.memory_space<semaphore_mem>>)
        %mul3A_198 = arith.constant 2 : i32
        %mul3A_199 = arith.muli %add3A_184, %mul3A_198 : i32
        %add3A_200 = arith.constant 1 : i32
        %add3A_201 = arith.addi %mul3A_199, %add3A_200 : i32
        %dma_start3A_202 = arith.constant 128 : i32
        %dma_start3A_203 = arith.constant 0 : i32
        %dma_start3A_204 = tpu.memref_slice %arg9[%dma_start3A_202, %dma_start3A_203] : memref<256x64xf32, #tpu.memory_space<vmem>> -> memref<128x64xf32, #tpu.memory_space<vmem>>
        %dma_start3A_205 = arith.constant 0 : i32
        %dma_start3A_206 = tpu.memref_slice %arg5[%add3A_201, %dma_start3A_205] : memref<200x128xi32, #tpu.memory_space<vmem>> -> memref<1x128xi32, #tpu.memory_space<vmem>>
        %dma_start3A_207 = tpu.memref_squeeze %dma_start3A_206 : memref<1x128xi32, #tpu.memory_space<vmem>> -> memref<128xi32, #tpu.memory_space<vmem>>
        %dma_start3A_208 = arith.constant 0 : i32
        %dma_start3A_209 = arith.constant 0 : i32
        %dma_start3A_210 = tpu.memref_slice %arg3[%dma_start3A_208, %dma_start3A_209] : memref<1000000x64xf32, #tpu.memory_space<hbm>> -> memref<1000000x64xf32, #tpu.memory_space<hbm>>
        tpu.enqueue_indirect_dma source(%dma_start3A_210 : memref<1000000x64xf32, #tpu.memory_space<hbm>>) target(%dma_start3A_204 : memref<128x64xf32, #tpu.memory_space<vmem>>) offsets(%dma_start3A_207 : memref<128xi32, #tpu.memory_space<vmem>>) semaphore(%arg13 : memref<!tpu.dma_semaphore, #tpu.memory_space<semaphore_mem>>)
      } else {
      }
      %parallel_loop3A_113 = arith.constant 0 : i32
      %parallel_loop3A_114 = arith.constant 256 : i32
      %parallel_loop3A_115 = arith.constant 1 : i32
      scf.for %parallel_loop3A_179 = %parallel_loop3A_113 to %parallel_loop3A_114 step %parallel_loop3A_115  : i32 {
        %parallel_loop3A_180 = arith.index_cast %parallel_loop3A_179 : i32 to index
        %parallel_loop3A_181 = arith.constant 0 : index
        %parallel_loop3A_182 = tpu.vector_load %arg7[%parallel_loop3A_180, %parallel_loop3A_181] {strides = array<i32>} : memref<256x64xf32, #tpu.memory_space<vmem>>, vector<1x16xf32>,
        %parallel_loop3A_183 = vector.shape_cast %parallel_loop3A_182 : vector<1x16xf32> to vector<16xf32>
        %parallel_loop3A_184 = vector.broadcast %scan3A : f32 to vector<16xf32>
        %parallel_loop3A_185 = arith.mulf %parallel_loop3A_183, %parallel_loop3A_184 : vector<16xf32>
        %parallel_loop3A_186 = arith.index_cast %parallel_loop3A_179 : i32 to index
        %parallel_loop3A_187 = arith.constant 0 : index
        %parallel_loop3A_188 = tpu.vector_load %arg7[%parallel_loop3A_186, %parallel_loop3A_187] {strides = array<i32>} : memref<256x64xf32, #tpu.memory_space<vmem>>, vector<1x16xf32>,
        %parallel_loop3A_189 = vector.shape_cast %parallel_loop3A_188 : vector<1x16xf32> to vector<16xf32>
        %parallel_loop3A_190 = vector.shape_cast %parallel_loop3A_185 : vector<16xf32> to vector<1x16xf32>
        tpu.vector_store %arg7[%parallel_loop3A_186, %parallel_loop3A_187], %parallel_loop3A_190 {strides = array<i32>} : memref<256x64xf32, #tpu.memory_space<vmem>>, vector<1x16xf32>,
        %parallel_loop3A_191 = arith.index_cast %parallel_loop3A_179 : i32 to index
        %parallel_loop3A_192 = arith.constant 16 : index
        %parallel_loop3A_193 = tpu.vector_load %arg7[%parallel_loop3A_191, %parallel_loop3A_192] {strides = array<i32>} : memref<256x64xf32, #tpu.memory_space<vmem>>, vector<1x16xf32>,
        %parallel_loop3A_194 = vector.shape_cast %parallel_loop3A_193 : vector<1x16xf32> to vector<16xf32>
        %parallel_loop3A_195 = vector.broadcast %scan3A : f32 to vector<16xf32>
        %parallel_loop3A_196 = arith.mulf %parallel_loop3A_194, %parallel_loop3A_195 : vector<16xf32>
        %parallel_loop3A_197 = arith.index_cast %parallel_loop3A_179 : i32 to index
        %parallel_loop3A_198 = arith.constant 16 : index
        %parallel_loop3A_199 = tpu.vector_load %arg7[%parallel_loop3A_197, %parallel_loop3A_198] {strides = array<i32>} : memref<256x64xf32, #tpu.memory_space<vmem>>, vector<1x16xf32>,
        %parallel_loop3A_200 = vector.shape_cast %parallel_loop3A_199 : vector<1x16xf32> to vector<16xf32>
        %parallel_loop3A_201 = vector.shape_cast %parallel_loop3A_196 : vector<16xf32> to vector<1x16xf32>
        tpu.vector_store %arg7[%parallel_loop3A_197, %parallel_loop3A_198], %parallel_loop3A_201 {strides = array<i32>} : memref<256x64xf32, #tpu.memory_space<vmem>>, vector<1x16xf32>,
        %parallel_loop3A_202 = arith.index_cast %parallel_loop3A_179 : i32 to index
        %parallel_loop3A_203 = arith.constant 32 : index
        %parallel_loop3A_204 = tpu.vector_load %arg7[%parallel_loop3A_202, %parallel_loop3A_203] {strides = array<i32>} : memref<256x64xf32, #tpu.memory_space<vmem>>, vector<1x16xf32>,
        %parallel_loop3A_205 = vector.shape_cast %parallel_loop3A_204 : vector<1x16xf32> to vector<16xf32>
        %parallel_loop3A_206 = vector.broadcast %scan3A : f32 to vector<16xf32>
        %parallel_loop3A_207 = arith.mulf %parallel_loop3A_205, %parallel_loop3A_206 : vector<16xf32>
        %parallel_loop3A_208 = arith.index_cast %parallel_loop3A_179 : i32 to index
        %parallel_loop3A_209 = arith.constant 32 : index
        %parallel_loop3A_210 = tpu.vector_load %arg7[%parallel_loop3A_208, %parallel_loop3A_209] {strides = array<i32>} : memref<256x64xf32, #tpu.memory_space<vmem>>, vector<1x16xf32>,
        %parallel_loop3A_211 = vector.shape_cast %parallel_loop3A_210 : vector<1x16xf32> to vector<16xf32>
        %parallel_loop3A_212 = vector.shape_cast %parallel_loop3A_207 : vector<16xf32> to vector<1x16xf32>
        tpu.vector_store %arg7[%parallel_loop3A_208, %parallel_loop3A_209], %parallel_loop3A_212 {strides = array<i32>} : memref<256x64xf32, #tpu.memory_space<vmem>>, vector<1x16xf32>,
        %parallel_loop3A_213 = arith.index_cast %parallel_loop3A_179 : i32 to index
        %parallel_loop3A_214 = arith.constant 48 : index
        %parallel_loop3A_215 = tpu.vector_load %arg7[%parallel_loop3A_213, %parallel_loop3A_214] {strides = array<i32>} : memref<256x64xf32, #tpu.memory_space<vmem>>, vector<1x16xf32>,
        %parallel_loop3A_216 = vector.shape_cast %parallel_loop3A_215 : vector<1x16xf32> to vector<16xf32>
        %parallel_loop3A_217 = vector.broadcast %scan3A : f32 to vector<16xf32>
        %parallel_loop3A_218 = arith.mulf %parallel_loop3A_216, %parallel_loop3A_217 : vector<16xf32>
        %parallel_loop3A_219 = arith.index_cast %parallel_loop3A_179 : i32 to index
        %parallel_loop3A_220 = arith.constant 48 : index
        %parallel_loop3A_221 = tpu.vector_load %arg7[%parallel_loop3A_219, %parallel_loop3A_220] {strides = array<i32>} : memref<256x64xf32, #tpu.memory_space<vmem>>, vector<1x16xf32>,
        %parallel_loop3A_222 = vector.shape_cast %parallel_loop3A_221 : vector<1x16xf32> to vector<16xf32>
        %parallel_loop3A_223 = vector.shape_cast %parallel_loop3A_218 : vector<16xf32> to vector<1x16xf32>
        tpu.vector_store %arg7[%parallel_loop3A_219, %parallel_loop3A_220], %parallel_loop3A_223 {strides = array<i32>} : memref<256x64xf32, #tpu.memory_space<vmem>>, vector<1x16xf32>,
      } {sc.loop_unroll_factor = 8 : i64, sc.parallel_access}
      %mul3A_116 = arith.constant 100 : i32
      %mul3A_117 = arith.muli %add3A, %mul3A_116 : i32
      %add3A_118 = arith.addi %mul3A_117, %add3A_99 : i32
      %mul3A_119 = arith.constant 256 : i32
      %mul3A_120 = arith.muli %add3A_118, %mul3A_119 : i32
      %dma_start3A_121 = arith.constant 0 : i32
      %dma_start3A_122 = tpu.memref_slice %arg4[%mul3A_120, %dma_start3A_121] : memref<819200x64xf32, #tpu.memory_space<hbm>> -> memref<256x64xf32, #tpu.memory_space<hbm>>
      %dma_start3A_123 = arith.constant 0 : i32
      %dma_start3A_124 = tpu.memref_slice %arg4[%mul3A_120, %dma_start3A_123] : memref<819200x64xf32, #tpu.memory_space<hbm>> -> memref<256x64xf32, #tpu.memory_space<hbm>>
      tpu.enqueue_dma source(%arg7 : memref<256x64xf32, #tpu.memory_space<vmem>>) target(%dma_start3A_124 : memref<256x64xf32, #tpu.memory_space<hbm>>) target_semaphore(%arg15 : memref<!tpu.dma_semaphore, #tpu.memory_space<semaphore_mem>>)
      %add3A_125 = arith.constant 2 : i32
      %add3A_126 = arith.addi %add3A_74, %add3A_125 : i32
      %dma_wait3A_127 = arith.constant 0 : i32
      %dma_wait3A_128 = arith.constant 0 : i32
      %dma_wait3A_129 = tpu.memref_slice %arg3[%dma_wait3A_127, %dma_wait3A_128] : memref<1000000x64xf32, #tpu.memory_space<hbm>> -> memref<256x64xf32, #tpu.memory_space<hbm>>
      %dma_wait3A_130 = arith.constant 0 : i32
      %dma_wait3A_131 = arith.constant 0 : i32
      %dma_wait3A_132 = tpu.memref_slice %arg3[%dma_wait3A_130, %dma_wait3A_131] : memref<1000000x64xf32, #tpu.memory_space<hbm>> -> memref<256x64xf32, #tpu.memory_space<hbm>>
      tpu.wait_dma2 semaphore(%arg12 : memref<!tpu.dma_semaphore, #tpu.memory_space<semaphore_mem>>) src(%dma_wait3A_132 : memref<256x64xf32, #tpu.memory_space<hbm>>) dst(%arg8 : memref<256x64xf32, #tpu.memory_space<vmem>>)
      %add3A_133 = arith.constant 2 : i32
      %add3A_134 = arith.addi %add3A_126, %add3A_133 : i32
      %lt3A_135 = arith.constant 100 : i32
      %lt3A_136 = arith.cmpi slt, %add3A_134, %lt3A_135 : i32
      %convert_element_type3A_137 = arith.extui %lt3A_136 : i1 to i32
      %cond3A_138 = arith.constant 0 : i32
      %cond3A_139 = arith.cmpi ne, %convert_element_type3A_137, %cond3A_138 : i32
      scf.if %cond3A_139 {
        %ge3A = arith.constant 2 : i32
        %ge3A_179 = arith.cmpi sge, %add3A_126, %ge3A : i32
        %convert_element_type3A_180 = arith.extui %ge3A_179 : i1 to i32
        %cond3A_181 = arith.constant 0 : i32
        %cond3A_182 = arith.cmpi ne, %convert_element_type3A_180, %cond3A_181 : i32
        scf.if %cond3A_182 {
          %dma_wait3A_211 = arith.constant 0 : i32
          %dma_wait3A_212 = arith.constant 0 : i32
          %dma_wait3A_213 = tpu.memref_slice %arg4[%dma_wait3A_211, %dma_wait3A_212] : memref<819200x64xf32, #tpu.memory_space<hbm>> -> memref<256x64xf32, #tpu.memory_space<hbm>>
          %dma_wait3A_214 = arith.constant 0 : i32
          %dma_wait3A_215 = arith.constant 0 : i32
          %dma_wait3A_216 = tpu.memref_slice %arg4[%dma_wait3A_214, %dma_wait3A_215] : memref<819200x64xf32, #tpu.memory_space<hbm>> -> memref<256x64xf32, #tpu.memory_space<hbm>>
          tpu.wait_dma2 semaphore(%arg14 : memref<!tpu.dma_semaphore, #tpu.memory_space<semaphore_mem>>) src(%arg6 : memref<256x64xf32, #tpu.memory_space<vmem>>) dst(%dma_wait3A_216 : memref<256x64xf32, #tpu.memory_space<hbm>>)
        } else {
        }
        %add3A_183 = arith.constant 2 : i32
        %add3A_184 = arith.addi %add3A_126, %add3A_183 : i32
        %mul3A_185 = arith.constant 2 : i32
        %mul3A_186 = arith.muli %add3A_184, %mul3A_185 : i32
        %add3A_187 = arith.constant 0 : i32
        %add3A_188 = arith.addi %mul3A_186, %add3A_187 : i32
        %dma_start3A_189 = arith.constant 0 : i32
        %dma_start3A_190 = arith.constant 0 : i32
        %dma_start3A_191 = tpu.memref_slice %arg6[%dma_start3A_189, %dma_start3A_190] : memref<256x64xf32, #tpu.memory_space<vmem>> -> memref<128x64xf32, #tpu.memory_space<vmem>>
        %dma_start3A_192 = arith.constant 0 : i32
        %dma_start3A_193 = tpu.memref_slice %arg5[%add3A_188, %dma_start3A_192] : memref<200x128xi32, #tpu.memory_space<vmem>> -> memref<1x128xi32, #tpu.memory_space<vmem>>
        %dma_start3A_194 = tpu.memref_squeeze %dma_start3A_193 : memref<1x128xi32, #tpu.memory_space<vmem>> -> memref<128xi32, #tpu.memory_space<vmem>>
        %dma_start3A_195 = arith.constant 0 : i32
        %dma_start3A_196 = arith.constant 0 : i32
        %dma_start3A_197 = tpu.memref_slice %arg3[%dma_start3A_195, %dma_start3A_196] : memref<1000000x64xf32, #tpu.memory_space<hbm>> -> memref<1000000x64xf32, #tpu.memory_space<hbm>>
        tpu.enqueue_indirect_dma source(%dma_start3A_197 : memref<1000000x64xf32, #tpu.memory_space<hbm>>) target(%dma_start3A_191 : memref<128x64xf32, #tpu.memory_space<vmem>>) offsets(%dma_start3A_194 : memref<128xi32, #tpu.memory_space<vmem>>) semaphore(%arg10 : memref<!tpu.dma_semaphore, #tpu.memory_space<semaphore_mem>>)
        %mul3A_198 = arith.constant 2 : i32
        %mul3A_199 = arith.muli %add3A_184, %mul3A_198 : i32
        %add3A_200 = arith.constant 1 : i32
        %add3A_201 = arith.addi %mul3A_199, %add3A_200 : i32
        %dma_start3A_202 = arith.constant 128 : i32
        %dma_start3A_203 = arith.constant 0 : i32
        %dma_start3A_204 = tpu.memref_slice %arg6[%dma_start3A_202, %dma_start3A_203] : memref<256x64xf32, #tpu.memory_space<vmem>> -> memref<128x64xf32, #tpu.memory_space<vmem>>
        %dma_start3A_205 = arith.constant 0 : i32
        %dma_start3A_206 = tpu.memref_slice %arg5[%add3A_201, %dma_start3A_205] : memref<200x128xi32, #tpu.memory_space<vmem>> -> memref<1x128xi32, #tpu.memory_space<vmem>>
        %dma_start3A_207 = tpu.memref_squeeze %dma_start3A_206 : memref<1x128xi32, #tpu.memory_space<vmem>> -> memref<128xi32, #tpu.memory_space<vmem>>
        %dma_start3A_208 = arith.constant 0 : i32
        %dma_start3A_209 = arith.constant 0 : i32
        %dma_start3A_210 = tpu.memref_slice %arg3[%dma_start3A_208, %dma_start3A_209] : memref<1000000x64xf32, #tpu.memory_space<hbm>> -> memref<1000000x64xf32, #tpu.memory_space<hbm>>
        tpu.enqueue_indirect_dma source(%dma_start3A_210 : memref<1000000x64xf32, #tpu.memory_space<hbm>>) target(%dma_start3A_204 : memref<128x64xf32, #tpu.memory_space<vmem>>) offsets(%dma_start3A_207 : memref<128xi32, #tpu.memory_space<vmem>>) semaphore(%arg10 : memref<!tpu.dma_semaphore, #tpu.memory_space<semaphore_mem>>)
      } else {
      }
      %parallel_loop3A_140 = arith.constant 0 : i32
      %parallel_loop3A_141 = arith.constant 256 : i32
      %parallel_loop3A_142 = arith.constant 1 : i32
      scf.for %parallel_loop3A_179 = %parallel_loop3A_140 to %parallel_loop3A_141 step %parallel_loop3A_142  : i32 {
        %parallel_loop3A_180 = arith.index_cast %parallel_loop3A_179 : i32 to index
        %parallel_loop3A_181 = arith.constant 0 : index
        %parallel_loop3A_182 = tpu.vector_load %arg8[%parallel_loop3A_180, %parallel_loop3A_181] {strides = array<i32>} : memref<256x64xf32, #tpu.memory_space<vmem>>, vector<1x16xf32>,
        %parallel_loop3A_183 = vector.shape_cast %parallel_loop3A_182 : vector<1x16xf32> to vector<16xf32>
        %parallel_loop3A_184 = vector.broadcast %scan3A : f32 to vector<16xf32>
        %parallel_loop3A_185 = arith.mulf %parallel_loop3A_183, %parallel_loop3A_184 : vector<16xf32>
        %parallel_loop3A_186 = arith.index_cast %parallel_loop3A_179 : i32 to index
        %parallel_loop3A_187 = arith.constant 0 : index
        %parallel_loop3A_188 = tpu.vector_load %arg8[%parallel_loop3A_186, %parallel_loop3A_187] {strides = array<i32>} : memref<256x64xf32, #tpu.memory_space<vmem>>, vector<1x16xf32>,
        %parallel_loop3A_189 = vector.shape_cast %parallel_loop3A_188 : vector<1x16xf32> to vector<16xf32>
        %parallel_loop3A_190 = vector.shape_cast %parallel_loop3A_185 : vector<16xf32> to vector<1x16xf32>
        tpu.vector_store %arg8[%parallel_loop3A_186, %parallel_loop3A_187], %parallel_loop3A_190 {strides = array<i32>} : memref<256x64xf32, #tpu.memory_space<vmem>>, vector<1x16xf32>,
        %parallel_loop3A_191 = arith.index_cast %parallel_loop3A_179 : i32 to index
        %parallel_loop3A_192 = arith.constant 16 : index
        %parallel_loop3A_193 = tpu.vector_load %arg8[%parallel_loop3A_191, %parallel_loop3A_192] {strides = array<i32>} : memref<256x64xf32, #tpu.memory_space<vmem>>, vector<1x16xf32>,
        %parallel_loop3A_194 = vector.shape_cast %parallel_loop3A_193 : vector<1x16xf32> to vector<16xf32>
        %parallel_loop3A_195 = vector.broadcast %scan3A : f32 to vector<16xf32>
        %parallel_loop3A_196 = arith.mulf %parallel_loop3A_194, %parallel_loop3A_195 : vector<16xf32>
        %parallel_loop3A_197 = arith.index_cast %parallel_loop3A_179 : i32 to index
        %parallel_loop3A_198 = arith.constant 16 : index
        %parallel_loop3A_199 = tpu.vector_load %arg8[%parallel_loop3A_197, %parallel_loop3A_198] {strides = array<i32>} : memref<256x64xf32, #tpu.memory_space<vmem>>, vector<1x16xf32>,
        %parallel_loop3A_200 = vector.shape_cast %parallel_loop3A_199 : vector<1x16xf32> to vector<16xf32>
        %parallel_loop3A_201 = vector.shape_cast %parallel_loop3A_196 : vector<16xf32> to vector<1x16xf32>
        tpu.vector_store %arg8[%parallel_loop3A_197, %parallel_loop3A_198], %parallel_loop3A_201 {strides = array<i32>} : memref<256x64xf32, #tpu.memory_space<vmem>>, vector<1x16xf32>,
        %parallel_loop3A_202 = arith.index_cast %parallel_loop3A_179 : i32 to index
        %parallel_loop3A_203 = arith.constant 32 : index
        %parallel_loop3A_204 = tpu.vector_load %arg8[%parallel_loop3A_202, %parallel_loop3A_203] {strides = array<i32>} : memref<256x64xf32, #tpu.memory_space<vmem>>, vector<1x16xf32>,
        %parallel_loop3A_205 = vector.shape_cast %parallel_loop3A_204 : vector<1x16xf32> to vector<16xf32>
        %parallel_loop3A_206 = vector.broadcast %scan3A : f32 to vector<16xf32>
        %parallel_loop3A_207 = arith.mulf %parallel_loop3A_205, %parallel_loop3A_206 : vector<16xf32>
        %parallel_loop3A_208 = arith.index_cast %parallel_loop3A_179 : i32 to index
        %parallel_loop3A_209 = arith.constant 32 : index
        %parallel_loop3A_210 = tpu.vector_load %arg8[%parallel_loop3A_208, %parallel_loop3A_209] {strides = array<i32>} : memref<256x64xf32, #tpu.memory_space<vmem>>, vector<1x16xf32>,
        %parallel_loop3A_211 = vector.shape_cast %parallel_loop3A_210 : vector<1x16xf32> to vector<16xf32>
        %parallel_loop3A_212 = vector.shape_cast %parallel_loop3A_207 : vector<16xf32> to vector<1x16xf32>
        tpu.vector_store %arg8[%parallel_loop3A_208, %parallel_loop3A_209], %parallel_loop3A_212 {strides = array<i32>} : memref<256x64xf32, #tpu.memory_space<vmem>>, vector<1x16xf32>,
        %parallel_loop3A_213 = arith.index_cast %parallel_loop3A_179 : i32 to index
        %parallel_loop3A_214 = arith.constant 48 : index
        %parallel_loop3A_215 = tpu.vector_load %arg8[%parallel_loop3A_213, %parallel_loop3A_214] {strides = array<i32>} : memref<256x64xf32, #tpu.memory_space<vmem>>, vector<1x16xf32>,
        %parallel_loop3A_216 = vector.shape_cast %parallel_loop3A_215 : vector<1x16xf32> to vector<16xf32>
        %parallel_loop3A_217 = vector.broadcast %scan3A : f32 to vector<16xf32>
        %parallel_loop3A_218 = arith.mulf %parallel_loop3A_216, %parallel_loop3A_217 : vector<16xf32>
        %parallel_loop3A_219 = arith.index_cast %parallel_loop3A_179 : i32 to index
        %parallel_loop3A_220 = arith.constant 48 : index
        %parallel_loop3A_221 = tpu.vector_load %arg8[%parallel_loop3A_219, %parallel_loop3A_220] {strides = array<i32>} : memref<256x64xf32, #tpu.memory_space<vmem>>, vector<1x16xf32>,
        %parallel_loop3A_222 = vector.shape_cast %parallel_loop3A_221 : vector<1x16xf32> to vector<16xf32>
        %parallel_loop3A_223 = vector.shape_cast %parallel_loop3A_218 : vector<16xf32> to vector<1x16xf32>
        tpu.vector_store %arg8[%parallel_loop3A_219, %parallel_loop3A_220], %parallel_loop3A_223 {strides = array<i32>} : memref<256x64xf32, #tpu.memory_space<vmem>>, vector<1x16xf32>,
      } {sc.loop_unroll_factor = 8 : i64, sc.parallel_access}
      %mul3A_143 = arith.constant 100 : i32
      %mul3A_144 = arith.muli %add3A, %mul3A_143 : i32
      %add3A_145 = arith.addi %mul3A_144, %add3A_126 : i32
      %mul3A_146 = arith.constant 256 : i32
      %mul3A_147 = arith.muli %add3A_145, %mul3A_146 : i32
      %dma_start3A_148 = arith.constant 0 : i32
      %dma_start3A_149 = tpu.memref_slice %arg4[%mul3A_147, %dma_start3A_148] : memref<819200x64xf32, #tpu.memory_space<hbm>> -> memref<256x64xf32, #tpu.memory_space<hbm>>
      %dma_start3A_150 = arith.constant 0 : i32
      %dma_start3A_151 = tpu.memref_slice %arg4[%mul3A_147, %dma_start3A_150] : memref<819200x64xf32, #tpu.memory_space<hbm>> -> memref<256x64xf32, #tpu.memory_space<hbm>>
      tpu.enqueue_dma source(%arg8 : memref<256x64xf32, #tpu.memory_space<vmem>>) target(%dma_start3A_151 : memref<256x64xf32, #tpu.memory_space<hbm>>) target_semaphore(%arg16 : memref<!tpu.dma_semaphore, #tpu.memory_space<semaphore_mem>>)
      %add3A_152 = arith.constant 3 : i32
      %add3A_153 = arith.addi %add3A_74, %add3A_152 : i32
      %dma_wait3A_154 = arith.constant 0 : i32
      %dma_wait3A_155 = arith.constant 0 : i32
      %dma_wait3A_156 = tpu.memref_slice %arg3[%dma_wait3A_154, %dma_wait3A_155] : memref<1000000x64xf32, #tpu.memory_space<hbm>> -> memref<256x64xf32, #tpu.memory_space<hbm>>
      %dma_wait3A_157 = arith.constant 0 : i32
      %dma_wait3A_158 = arith.constant 0 : i32
      %dma_wait3A_159 = tpu.memref_slice %arg3[%dma_wait3A_157, %dma_wait3A_158] : memref<1000000x64xf32, #tpu.memory_space<hbm>> -> memref<256x64xf32, #tpu.memory_space<hbm>>
      tpu.wait_dma2 semaphore(%arg13 : memref<!tpu.dma_semaphore, #tpu.memory_space<semaphore_mem>>) src(%dma_wait3A_159 : memref<256x64xf32, #tpu.memory_space<hbm>>) dst(%arg9 : memref<256x64xf32, #tpu.memory_space<vmem>>)
      %add3A_160 = arith.constant 2 : i32
      %add3A_161 = arith.addi %add3A_153, %add3A_160 : i32
      %lt3A_162 = arith.constant 100 : i32
      %lt3A_163 = arith.cmpi slt, %add3A_161, %lt3A_162 : i32
      %convert_element_type3A_164 = arith.extui %lt3A_163 : i1 to i32
      %cond3A_165 = arith.constant 0 : i32
      %cond3A_166 = arith.cmpi ne, %convert_element_type3A_164, %cond3A_165 : i32
      scf.if %cond3A_166 {
        %ge3A = arith.constant 2 : i32
        %ge3A_179 = arith.cmpi sge, %add3A_153, %ge3A : i32
        %convert_element_type3A_180 = arith.extui %ge3A_179 : i1 to i32
        %cond3A_181 = arith.constant 0 : i32
        %cond3A_182 = arith.cmpi ne, %convert_element_type3A_180, %cond3A_181 : i32
        scf.if %cond3A_182 {
          %dma_wait3A_211 = arith.constant 0 : i32
          %dma_wait3A_212 = arith.constant 0 : i32
          %dma_wait3A_213 = tpu.memref_slice %arg4[%dma_wait3A_211, %dma_wait3A_212] : memref<819200x64xf32, #tpu.memory_space<hbm>> -> memref<256x64xf32, #tpu.memory_space<hbm>>
          %dma_wait3A_214 = arith.constant 0 : i32
          %dma_wait3A_215 = arith.constant 0 : i32
          %dma_wait3A_216 = tpu.memref_slice %arg4[%dma_wait3A_214, %dma_wait3A_215] : memref<819200x64xf32, #tpu.memory_space<hbm>> -> memref<256x64xf32, #tpu.memory_space<hbm>>
          tpu.wait_dma2 semaphore(%arg15 : memref<!tpu.dma_semaphore, #tpu.memory_space<semaphore_mem>>) src(%arg7 : memref<256x64xf32, #tpu.memory_space<vmem>>) dst(%dma_wait3A_216 : memref<256x64xf32, #tpu.memory_space<hbm>>)
        } else {
        }
        %add3A_183 = arith.constant 2 : i32
        %add3A_184 = arith.addi %add3A_153, %add3A_183 : i32
        %mul3A_185 = arith.constant 2 : i32
        %mul3A_186 = arith.muli %add3A_184, %mul3A_185 : i32
        %add3A_187 = arith.constant 0 : i32
        %add3A_188 = arith.addi %mul3A_186, %add3A_187 : i32
        %dma_start3A_189 = arith.constant 0 : i32
        %dma_start3A_190 = arith.constant 0 : i32
        %dma_start3A_191 = tpu.memref_slice %arg7[%dma_start3A_189, %dma_start3A_190] : memref<256x64xf32, #tpu.memory_space<vmem>> -> memref<128x64xf32, #tpu.memory_space<vmem>>
        %dma_start3A_192 = arith.constant 0 : i32
        %dma_start3A_193 = tpu.memref_slice %arg5[%add3A_188, %dma_start3A_192] : memref<200x128xi32, #tpu.memory_space<vmem>> -> memref<1x128xi32, #tpu.memory_space<vmem>>
        %dma_start3A_194 = tpu.memref_squeeze %dma_start3A_193 : memref<1x128xi32, #tpu.memory_space<vmem>> -> memref<128xi32, #tpu.memory_space<vmem>>
        %dma_start3A_195 = arith.constant 0 : i32
        %dma_start3A_196 = arith.constant 0 : i32
        %dma_start3A_197 = tpu.memref_slice %arg3[%dma_start3A_195, %dma_start3A_196] : memref<1000000x64xf32, #tpu.memory_space<hbm>> -> memref<1000000x64xf32, #tpu.memory_space<hbm>>
        tpu.enqueue_indirect_dma source(%dma_start3A_197 : memref<1000000x64xf32, #tpu.memory_space<hbm>>) target(%dma_start3A_191 : memref<128x64xf32, #tpu.memory_space<vmem>>) offsets(%dma_start3A_194 : memref<128xi32, #tpu.memory_space<vmem>>) semaphore(%arg11 : memref<!tpu.dma_semaphore, #tpu.memory_space<semaphore_mem>>)
        %mul3A_198 = arith.constant 2 : i32
        %mul3A_199 = arith.muli %add3A_184, %mul3A_198 : i32
        %add3A_200 = arith.constant 1 : i32
        %add3A_201 = arith.addi %mul3A_199, %add3A_200 : i32
        %dma_start3A_202 = arith.constant 128 : i32
        %dma_start3A_203 = arith.constant 0 : i32
        %dma_start3A_204 = tpu.memref_slice %arg7[%dma_start3A_202, %dma_start3A_203] : memref<256x64xf32, #tpu.memory_space<vmem>> -> memref<128x64xf32, #tpu.memory_space<vmem>>
        %dma_start3A_205 = arith.constant 0 : i32
        %dma_start3A_206 = tpu.memref_slice %arg5[%add3A_201, %dma_start3A_205] : memref<200x128xi32, #tpu.memory_space<vmem>> -> memref<1x128xi32, #tpu.memory_space<vmem>>
        %dma_start3A_207 = tpu.memref_squeeze %dma_start3A_206 : memref<1x128xi32, #tpu.memory_space<vmem>> -> memref<128xi32, #tpu.memory_space<vmem>>
        %dma_start3A_208 = arith.constant 0 : i32
        %dma_start3A_209 = arith.constant 0 : i32
        %dma_start3A_210 = tpu.memref_slice %arg3[%dma_start3A_208, %dma_start3A_209] : memref<1000000x64xf32, #tpu.memory_space<hbm>> -> memref<1000000x64xf32, #tpu.memory_space<hbm>>
        tpu.enqueue_indirect_dma source(%dma_start3A_210 : memref<1000000x64xf32, #tpu.memory_space<hbm>>) target(%dma_start3A_204 : memref<128x64xf32, #tpu.memory_space<vmem>>) offsets(%dma_start3A_207 : memref<128xi32, #tpu.memory_space<vmem>>) semaphore(%arg11 : memref<!tpu.dma_semaphore, #tpu.memory_space<semaphore_mem>>)
      } else {
      }
      %parallel_loop3A_167 = arith.constant 0 : i32
      %parallel_loop3A_168 = arith.constant 256 : i32
      %parallel_loop3A_169 = arith.constant 1 : i32
      scf.for %parallel_loop3A_179 = %parallel_loop3A_167 to %parallel_loop3A_168 step %parallel_loop3A_169  : i32 {
        %parallel_loop3A_180 = arith.index_cast %parallel_loop3A_179 : i32 to index
        %parallel_loop3A_181 = arith.constant 0 : index
        %parallel_loop3A_182 = tpu.vector_load %arg9[%parallel_loop3A_180, %parallel_loop3A_181] {strides = array<i32>} : memref<256x64xf32, #tpu.memory_space<vmem>>, vector<1x16xf32>,
        %parallel_loop3A_183 = vector.shape_cast %parallel_loop3A_182 : vector<1x16xf32> to vector<16xf32>
        %parallel_loop3A_184 = vector.broadcast %scan3A : f32 to vector<16xf32>
        %parallel_loop3A_185 = arith.mulf %parallel_loop3A_183, %parallel_loop3A_184 : vector<16xf32>
        %parallel_loop3A_186 = arith.index_cast %parallel_loop3A_179 : i32 to index
        %parallel_loop3A_187 = arith.constant 0 : index
        %parallel_loop3A_188 = tpu.vector_load %arg9[%parallel_loop3A_186, %parallel_loop3A_187] {strides = array<i32>} : memref<256x64xf32, #tpu.memory_space<vmem>>, vector<1x16xf32>,
        %parallel_loop3A_189 = vector.shape_cast %parallel_loop3A_188 : vector<1x16xf32> to vector<16xf32>
        %parallel_loop3A_190 = vector.shape_cast %parallel_loop3A_185 : vector<16xf32> to vector<1x16xf32>
        tpu.vector_store %arg9[%parallel_loop3A_186, %parallel_loop3A_187], %parallel_loop3A_190 {strides = array<i32>} : memref<256x64xf32, #tpu.memory_space<vmem>>, vector<1x16xf32>,
        %parallel_loop3A_191 = arith.index_cast %parallel_loop3A_179 : i32 to index
        %parallel_loop3A_192 = arith.constant 16 : index
        %parallel_loop3A_193 = tpu.vector_load %arg9[%parallel_loop3A_191, %parallel_loop3A_192] {strides = array<i32>} : memref<256x64xf32, #tpu.memory_space<vmem>>, vector<1x16xf32>,
        %parallel_loop3A_194 = vector.shape_cast %parallel_loop3A_193 : vector<1x16xf32> to vector<16xf32>
        %parallel_loop3A_195 = vector.broadcast %scan3A : f32 to vector<16xf32>
        %parallel_loop3A_196 = arith.mulf %parallel_loop3A_194, %parallel_loop3A_195 : vector<16xf32>
        %parallel_loop3A_197 = arith.index_cast %parallel_loop3A_179 : i32 to index
        %parallel_loop3A_198 = arith.constant 16 : index
        %parallel_loop3A_199 = tpu.vector_load %arg9[%parallel_loop3A_197, %parallel_loop3A_198] {strides = array<i32>} : memref<256x64xf32, #tpu.memory_space<vmem>>, vector<1x16xf32>,
        %parallel_loop3A_200 = vector.shape_cast %parallel_loop3A_199 : vector<1x16xf32> to vector<16xf32>
        %parallel_loop3A_201 = vector.shape_cast %parallel_loop3A_196 : vector<16xf32> to vector<1x16xf32>
        tpu.vector_store %arg9[%parallel_loop3A_197, %parallel_loop3A_198], %parallel_loop3A_201 {strides = array<i32>} : memref<256x64xf32, #tpu.memory_space<vmem>>, vector<1x16xf32>,
        %parallel_loop3A_202 = arith.index_cast %parallel_loop3A_179 : i32 to index
        %parallel_loop3A_203 = arith.constant 32 : index
        %parallel_loop3A_204 = tpu.vector_load %arg9[%parallel_loop3A_202, %parallel_loop3A_203] {strides = array<i32>} : memref<256x64xf32, #tpu.memory_space<vmem>>, vector<1x16xf32>,
        %parallel_loop3A_205 = vector.shape_cast %parallel_loop3A_204 : vector<1x16xf32> to vector<16xf32>
        %parallel_loop3A_206 = vector.broadcast %scan3A : f32 to vector<16xf32>
        %parallel_loop3A_207 = arith.mulf %parallel_loop3A_205, %parallel_loop3A_206 : vector<16xf32>
        %parallel_loop3A_208 = arith.index_cast %parallel_loop3A_179 : i32 to index
        %parallel_loop3A_209 = arith.constant 32 : index
        %parallel_loop3A_210 = tpu.vector_load %arg9[%parallel_loop3A_208, %parallel_loop3A_209] {strides = array<i32>} : memref<256x64xf32, #tpu.memory_space<vmem>>, vector<1x16xf32>,
        %parallel_loop3A_211 = vector.shape_cast %parallel_loop3A_210 : vector<1x16xf32> to vector<16xf32>
        %parallel_loop3A_212 = vector.shape_cast %parallel_loop3A_207 : vector<16xf32> to vector<1x16xf32>
        tpu.vector_store %arg9[%parallel_loop3A_208, %parallel_loop3A_209], %parallel_loop3A_212 {strides = array<i32>} : memref<256x64xf32, #tpu.memory_space<vmem>>, vector<1x16xf32>,
        %parallel_loop3A_213 = arith.index_cast %parallel_loop3A_179 : i32 to index
        %parallel_loop3A_214 = arith.constant 48 : index
        %parallel_loop3A_215 = tpu.vector_load %arg9[%parallel_loop3A_213, %parallel_loop3A_214] {strides = array<i32>} : memref<256x64xf32, #tpu.memory_space<vmem>>, vector<1x16xf32>,
        %parallel_loop3A_216 = vector.shape_cast %parallel_loop3A_215 : vector<1x16xf32> to vector<16xf32>
        %parallel_loop3A_217 = vector.broadcast %scan3A : f32 to vector<16xf32>
        %parallel_loop3A_218 = arith.mulf %parallel_loop3A_216, %parallel_loop3A_217 : vector<16xf32>
        %parallel_loop3A_219 = arith.index_cast %parallel_loop3A_179 : i32 to index
        %parallel_loop3A_220 = arith.constant 48 : index
        %parallel_loop3A_221 = tpu.vector_load %arg9[%parallel_loop3A_219, %parallel_loop3A_220] {strides = array<i32>} : memref<256x64xf32, #tpu.memory_space<vmem>>, vector<1x16xf32>,
        %parallel_loop3A_222 = vector.shape_cast %parallel_loop3A_221 : vector<1x16xf32> to vector<16xf32>
        %parallel_loop3A_223 = vector.shape_cast %parallel_loop3A_218 : vector<16xf32> to vector<1x16xf32>
        tpu.vector_store %arg9[%parallel_loop3A_219, %parallel_loop3A_220], %parallel_loop3A_223 {strides = array<i32>} : memref<256x64xf32, #tpu.memory_space<vmem>>, vector<1x16xf32>,
      } {sc.loop_unroll_factor = 8 : i64, sc.parallel_access}
      %mul3A_170 = arith.constant 100 : i32
      %mul3A_171 = arith.muli %add3A, %mul3A_170 : i32
      %add3A_172 = arith.addi %mul3A_171, %add3A_153 : i32
      %mul3A_173 = arith.constant 256 : i32
      %mul3A_174 = arith.muli %add3A_172, %mul3A_173 : i32
      %dma_start3A_175 = arith.constant 0 : i32
      %dma_start3A_176 = tpu.memref_slice %arg4[%mul3A_174, %dma_start3A_175] : memref<819200x64xf32, #tpu.memory_space<hbm>> -> memref<256x64xf32, #tpu.memory_space<hbm>>
      %dma_start3A_177 = arith.constant 0 : i32
      %dma_start3A_178 = tpu.memref_slice %arg4[%mul3A_174, %dma_start3A_177] : memref<819200x64xf32, #tpu.memory_space<hbm>> -> memref<256x64xf32, #tpu.memory_space<hbm>>
      tpu.enqueue_dma source(%arg9 : memref<256x64xf32, #tpu.memory_space<vmem>>) target(%dma_start3A_178 : memref<256x64xf32, #tpu.memory_space<hbm>>) target_semaphore(%arg17 : memref<!tpu.dma_semaphore, #tpu.memory_space<semaphore_mem>>)
    }
    %scan3A_46 = arith.constant 25 : i32
    %dma_wait3A = arith.constant 0 : i32
    %dma_wait3A_47 = arith.constant 0 : i32
    %dma_wait3A_48 = tpu.memref_slice %arg4[%dma_wait3A, %dma_wait3A_47] : memref<819200x64xf32, #tpu.memory_space<hbm>> -> memref<256x64xf32, #tpu.memory_space<hbm>>
    %dma_wait3A_49 = arith.constant 0 : i32
    %dma_wait3A_50 = arith.constant 0 : i32
    %dma_wait3A_51 = tpu.memref_slice %arg4[%dma_wait3A_49, %dma_wait3A_50] : memref<819200x64xf32, #tpu.memory_space<hbm>> -> memref<256x64xf32, #tpu.memory_space<hbm>>
    tpu.wait_dma2 semaphore(%arg14 : memref<!tpu.dma_semaphore, #tpu.memory_space<semaphore_mem>>) src(%arg6 : memref<256x64xf32, #tpu.memory_space<vmem>>) dst(%dma_wait3A_51 : memref<256x64xf32, #tpu.memory_space<hbm>>)
    %dma_wait3A_52 = arith.constant 0 : i32
    %dma_wait3A_53 = arith.constant 0 : i32
    %dma_wait3A_54 = tpu.memref_slice %arg4[%dma_wait3A_52, %dma_wait3A_53] : memref<819200x64xf32, #tpu.memory_space<hbm>> -> memref<256x64xf32, #tpu.memory_space<hbm>>
    %dma_wait3A_55 = arith.constant 0 : i32
    %dma_wait3A_56 = arith.constant 0 : i32
    %dma_wait3A_57 = tpu.memref_slice %arg4[%dma_wait3A_55, %dma_wait3A_56] : memref<819200x64xf32, #tpu.memory_space<hbm>> -> memref<256x64xf32, #tpu.memory_space<hbm>>
    tpu.wait_dma2 semaphore(%arg15 : memref<!tpu.dma_semaphore, #tpu.memory_space<semaphore_mem>>) src(%arg7 : memref<256x64xf32, #tpu.memory_space<vmem>>) dst(%dma_wait3A_57 : memref<256x64xf32, #tpu.memory_space<hbm>>)
    %dma_wait3A_58 = arith.constant 0 : i32
    %dma_wait3A_59 = arith.constant 0 : i32
    %dma_wait3A_60 = tpu.memref_slice %arg4[%dma_wait3A_58, %dma_wait3A_59] : memref<819200x64xf32, #tpu.memory_space<hbm>> -> memref<256x64xf32, #tpu.memory_space<hbm>>
    %dma_wait3A_61 = arith.constant 0 : i32
    %dma_wait3A_62 = arith.constant 0 : i32
    %dma_wait3A_63 = tpu.memref_slice %arg4[%dma_wait3A_61, %dma_wait3A_62] : memref<819200x64xf32, #tpu.memory_space<hbm>> -> memref<256x64xf32, #tpu.memory_space<hbm>>
    tpu.wait_dma2 semaphore(%arg16 : memref<!tpu.dma_semaphore, #tpu.memory_space<semaphore_mem>>) src(%arg8 : memref<256x64xf32, #tpu.memory_space<vmem>>) dst(%dma_wait3A_63 : memref<256x64xf32, #tpu.memory_space<hbm>>)
    %dma_wait3A_64 = arith.constant 0 : i32
    %dma_wait3A_65 = arith.constant 0 : i32
    %dma_wait3A_66 = tpu.memref_slice %arg4[%dma_wait3A_64, %dma_wait3A_65] : memref<819200x64xf32, #tpu.memory_space<hbm>> -> memref<256x64xf32, #tpu.memory_space<hbm>>
    %dma_wait3A_67 = arith.constant 0 : i32
    %dma_wait3A_68 = arith.constant 0 : i32
    %dma_wait3A_69 = tpu.memref_slice %arg4[%dma_wait3A_67, %dma_wait3A_68] : memref<819200x64xf32, #tpu.memory_space<hbm>> -> memref<256x64xf32, #tpu.memory_space<hbm>>
    tpu.wait_dma2 semaphore(%arg17 : memref<!tpu.dma_semaphore, #tpu.memory_space<semaphore_mem>>) src(%arg9 : memref<256x64xf32, #tpu.memory_space<vmem>>) dst(%dma_wait3A_69 : memref<256x64xf32, #tpu.memory_space<hbm>>)
    return
  }
}

</mosaic_0001>

<sc_bundles>
// kernel: _run.3.cloned.1.call-start
scs
__scs_entry_jumppad:
0x0: {  	(pc) =	sbr.rel $0x88, $3  }
0x1: {  	(tag) =	ssettag $0x0;
	lr =	simm.s32 $0x1  }
0x2: {  	[smem:$0x3F9F] =	sst lr;
	_ =	strace $0xD0000000  }
0x3: {  	_ = 	snop  }
0x4: {  	_ = 	snop  }
0x5: {  	_ = 	snop  }
0x6: {  	_ = 	snop  }
0x7: {  	_ = 	snop  }
__scs_overlays_trampoline_lowered:
0x8: {  	[smem:$0x3FAE] =	sst s0  }
0x9: {  	[smem:$0x3FAF] =	sst s1  }
0xa: {  	[smem:$0x3FB0] =	sst s2  }
0xb: {  	[smem:$0x3FB1] =	sst s3  }
0xc: {  	[smem:$0x3FB2] =	sst s4  }
0xd: {  	[smem:$0x3FB3] =	sst s5  }
0xe: {  	[smem:$0x3FB4] =	sst s6  }
0xf: {  	[smem:$0x3FB5] =	sst s7  }
0x10: {  	[smem:$0x3FB6] =	sst s8  }
0x11: {  	[smem:$0x3FB7] =	sst s9;
	s0 =	simm.s32 @!p0 $0x0  }
0x12: {  	s1 =	sld [smem:$0x3F9D];
	s0 =	simm.s32 @p0 $0x1  }
0x13: {  	[smem:$0x3FB8] =	sst s0;
	s0 =	simm.s32 @!p1 $0x0  }
0x14: {  	s2 =	sld [smem:$0x3F9C];
	s0 =	simm.s32 @p1 $0x1  }
0x15: {  	[smem:$0x3FB9] =	sst s0;
	s0 =	simm.s32 @!p2 $0x0  }
0x16: {  	s3 =	sld [smem:$0x3FDB];
	s0 =	simm.s32 @p2 $0x1  }
0x17: {  	s4 =	simm.s32 $0x1BF5;
	[smem:$0x3FBB] =	sst s0  }
0x18: {  	s0 =	sld [smem:$0x3F9E];
	_ =	swait.ge [sflag:s4], $0x0  }
0x19: {  	s7 =	sld [smem:$0x3F9F]  }
0x1a: {  	s8 =	sadd.s32 $0xFFFFE003, lr  }
0x1b: {  	s9 =	sadd.s32 $0xFFFFFEF7, lr;
	s5 =	simm.s32 $0xFFFFFFFF;
	p2 =	slt.u32 s8, $0xFFFFF086  }
0x1c: {  	p1 =	slt.u32 s9, $0xF7A;
	s5 =	simm.s32 @!p2 $0x0  }
0x1d: {  	s5 =	simm.s32 @p1 $0x1;
	p0 =	seq.s32 s7, s2  }
0x1e: {  	s7 =	smul.u32 @!p0 $0xF7A, s2;
	p2 =	seq.s32 @!p0 s5, $0x0  }
0x1f: {  	s9 =	smul.u32 $0xF7A, s1;
	s8 =	simm.s32 @!p0 $0x1BF5;
	p2 =	por !p2, p0  }
0x20: {  	[sflag:s8] =	ssyncset.s32 @!p0 $0xFFFFF086;
	s6 =	sadd.s32 @!p0 s3, s7;
	s7 =	simm.s32 @!p0 $0x108  }
0x21: {  	s3 =	sadd.s32 s3, s9;
	s6 =	sadd.s32 @!p0 $0x88, s6;
	s7 =	simm.s32 @p2 $0x1082  }
0x22: {  	[simem:s7], [sflag:s8] =	dma.local @!p0 [hbm:s6], $0xF7A  }
0x23: {  	s9 =	sor.u32 $0xD0000000, s2;
	s6 =	simm.s32 $0x108;
	_ =	swait.ge @!p0 [sflag:s8], $0x0  }
0x24: {  	s3 =	sadd.s32 $0x88, s3;
	s6 =	simm.s32 @!p1 $0x1082;
	[sflag:s4] =	ssyncset.s32 $0xFFFFF086  }
0x25: {  	[simem:s6], [sflag:s4] =	dma.local [hbm:s3], $0xF7A  }
0x26: {  	[smem:$0x3F9F] =	sst s1;
	(tag) =	ssettag s2;
	_ =	strace s9  }
0x27: {  	s1 =	sld [smem:$0x3FAF]  }
0x28: {  	s2 =	sld [smem:$0x3FB0]  }
0x29: {  	s4 =	sld [smem:$0x3FB2]  }
0x2a: {  	p0 =	seq.s32 s5, $0x0;
	s5 =	sld [smem:$0x3FB3]  }
0x2b: {  	s6 =	sld [smem:$0x3FB4]  }
0x2c: {  	s7 =	sld [smem:$0x3FB5]  }
0x2d: {  	s3 =	simm.s32 $0x108;
	s8 =	sld [smem:$0x3FB6]  }
0x2e: {  	s3 =	simm.s32 @!p0 $0x1082;
	s9 =	sld [smem:$0x3FB7]  }
0x2f: {  	lr =	sadd.s32 s0, s3;
	s0 =	sld [smem:$0x3FAE]  }
0x30: {  	s3 =	sld [smem:$0x3FB1]  }
0x31: {  	[smem:$0x3FBA] =	sst s10  }
0x32: {  	s10 =	sld [smem:$0x3FB8];
	_ =	sdelay $0x3  }
0x33: {  	p0 =	seq.s32 s10, $0x1;
	s10 =	sld [smem:$0x3FBA];
	_ =	sdelay $0x3  }
0x34: {  	[smem:$0x3FBA] =	sst s10  }
0x35: {  	s10 =	sld [smem:$0x3FB9];
	_ =	sdelay $0x3  }
0x36: {  	p1 =	seq.s32 s10, $0x1;
	s10 =	sld [smem:$0x3FBA];
	_ =	sdelay $0x3  }
0x37: {  	[smem:$0x3FBA] =	sst s10  }
0x38: {  	s10 =	sld [smem:$0x3FBB]  }
0x39: {  	_ = 	snop;
	(pc) =	sbr.ind lr, $3  }
0x3a: {  	_ = 	snop  }
0x3b: {  	_ = 	snop  }
0x3c: {  	p2 =	seq.s32 s10, $0x1;
	s10 =	sld [smem:$0x3FBA]  }
0x3d: {  	_ =	shalt  }
0x3e: {  	_ =	shalt  }
0x3f: {  	_ =	shalt  }
0x40: {  	_ =	shalt  }
0x41: {  	_ =	shalt  }
0x42: {  	_ =	shalt  }
0x43: {  	_ =	shalt  }
0x44: {  	_ =	shalt  }
0x45: {  	_ =	shalt  }
0x46: {  	_ =	shalt  }
0x47: {  	_ =	shalt  }
0x48: {  	_ =	shalt  }
0x49: {  	_ =	shalt  }
0x4a: {  	_ =	shalt  }
0x4b: {  	_ =	shalt  }
0x4c: {  	_ =	shalt  }
0x4d: {  	_ =	shalt  }
0x4e: {  	_ =	shalt  }
0x4f: {  	_ =	shalt  }
0x50: {  	_ =	shalt  }
0x51: {  	_ =	shalt  }
0x52: {  	_ =	shalt  }
0x53: {  	_ =	shalt  }
0x54: {  	_ =	shalt  }
0x55: {  	_ =	shalt  }
0x56: {  	_ =	shalt  }
0x57: {  	_ =	shalt  }
0x58: {  	_ =	shalt  }
0x59: {  	_ =	shalt  }
0x5a: {  	_ =	shalt  }
0x5b: {  	_ =	shalt  }
0x5c: {  	_ =	shalt  }
0x5d: {  	_ =	shalt  }
0x5e: {  	_ =	shalt  }
0x5f: {  	_ =	shalt  }
0x60: {  	_ =	shalt  }
0x61: {  	_ =	shalt  }
0x62: {  	_ =	shalt  }
0x63: {  	_ =	shalt  }
0x64: {  	_ =	shalt  }
0x65: {  	_ =	shalt  }
0x66: {  	_ =	shalt  }
0x67: {  	_ =	shalt  }
0x68: {  	_ =	shalt  }
0x69: {  	_ =	shalt  }
0x6a: {  	_ =	shalt  }
0x6b: {  	_ =	shalt  }
0x6c: {  	_ =	shalt  }
0x6d: {  	_ =	shalt  }
0x6e: {  	_ =	shalt  }
0x6f: {  	_ =	shalt  }
0x70: {  	_ =	shalt  }
0x71: {  	_ =	shalt  }
0x72: {  	_ =	shalt  }
0x73: {  	_ =	shalt  }
0x74: {  	_ =	shalt  }
0x75: {  	_ =	shalt  }
0x76: {  	_ =	shalt  }
0x77: {  	_ =	shalt  }
0x78: {  	_ =	shalt  }
0x79: {  	_ =	shalt  }
0x7a: {  	_ =	shalt  }
0x7b: {  	_ =	shalt  }
0x7c: {  	_ =	shalt  }
0x7d: {  	_ =	shalt  }
0x7e: {  	_ =	shalt  }
0x7f: {  	_ =	shalt  }
0x80: {  	_ =	shalt  }
0x81: {  	_ =	shalt  }
0x82: {  	_ =	shalt  }
0x83: {  	_ =	shalt  }
0x84: {  	_ =	shalt  }
0x85: {  	_ =	shalt  }
0x86: {  	_ =	shalt  }
0x87: {  	_ =	shalt  }
.Lfunc_end0:
.L_simem_size_0:
called_computation.1_lowered:
.L_overlay_start_0:
0x88: {  	s2 =	sld [smem:$0x3FD9]  }
0x89: {  	s3 =	sld [smem:$0x3FFE];
	_ =	sdelay $0x1  }
0x8a: {  	s1 =	srdreg.scid  }
0x8b: {  	s0 =	sand.u32 $0x1, s1  }
0x8c: {  	s17 =	sshll.u32 s0, $0xA;
	s2 =	sadd.s32 s3, s2  }
0x8d: {  	s2 =	sadd.s32 s2, s17  }
0x8e: {  	[smem:$0x3FC6] =	sst s2  }
0x8f: {  	_ = 	snop  }
0x90: {  	s2 =	sld [smem:$0x3FC9]  }
0x91: {  	s18 =	sld [smem:$0x3FD0];
	(tm) =	ssettm $0x1  }
0x92: {  	s4 =	sld [smem:$0x3FFB];
	_ =	sdelay $0x3  }
0x93: {  	_ =	strace s4  }
0x94: {  	s4 =	sld [smem:$0x3FFC];
	_ =	sdelay $0x3  }
0x95: {  	_ =	strace s4  }
0x96: {  	s4 =	sld [smem:$0x3FFD];
	_ =	sdelay $0x3  }
0x97: {  	_ =	strace s4  }
0x98: {  	_ =	strace $0x8FFFFFFF  }
0x99: {  	s19 =	sld [smem:$0x3FDB];
	_ =	sdelay $0x1  }
0x9a: {  	s5 =	simm.s32 $_scs_section_size  }
0x9b: {  	s6 =	simm.s32 $_size__tile_overlayer_lowered;
	s7 =	simm.s32 $_tile_overlayer_lowered  }
0x9c: {  	s22 =	simm.s32 $0x1BFF;
	s21 =	sshll.u32 s7, $0x1;
	s4 =	sadd.s32 s5, s19  }
0x9d: {  	s8 =	simm.s32 $0x0;
	s20 =	sshll.u32 s6, $0x1;
	s6 =	sadd.s32 s21, s4  }
0x9e: {  	[timem:s8], [sflag:s22] =	dma.local [hbm:s6], s20  }
0x9f: {  	_ =	swait.ge [sflag:s22], s20  }
0xa0: {  	s5 =	ssub.s32 $0x0, s20;
	[sflag:s22] =	ssyncset.done $0x0  }
0xa1: {  	[sflag:s22] =	ssyncadd.s32 s5;
	_ =	sdelay $0x1  }
0xa2: {  	s23 =	simm.s32 $0x1B8B  }
0xa3: {  	_ =	swait.ge [sflag:s23], $0x1  }
0xa4: {  	[sflag:s23] =	ssyncset.done $0x0  }
0xa5: {  	s25 =	simm.s32 $0x1B8E;
	s24 =	sld [smem:$0x3FFE];
	[sflag:s23] =	ssyncadd.s32 $0xFFFFFFFF  }
0xa6: {  	s26 =	simm.s32 $execute0_lowered;
	[smem:$0x3FD2] =	sst s25  }
0xa7: {  	s6 =	sshll.u32 s26, $0x1;
	_ =	strace $0x80000046;
	[dreg:$0x1] =	wrdreg $0xFFFFFFFF  }
0xa8: {  	s28 =	simm.s32 $_size_execute0_lowered;
	s4 =	sadd.s32 s4, s6;
	[dreg:$0x0] =	wrdreg $0x0  }
0xa9: {  	s6 =	sshll.u32 s28, $0x1;
	[dreg:$0x2] =	wrdreg s4  }
0xaa: {  	[dreg:$0x3] =	wrdreg s6  }
0xab: {  	[dreg:$0x4] =	wrdreg $0xC0  }
0xac: {  	_ =	task [dreg:s8], $0x5FFFF  }
0xad: {  	[dreg:$0x1] =	wrdreg $0xFFFFFFFF  }
0xae: {  	[dreg:$0x0] =	wrdreg $0x60  }
0xaf: {  	[dreg:$0x2] =	wrdreg s2  }
0xb0: {  	[dreg:$0x3] =	wrdreg s24  }
0xb1: {  	[dreg:$0x4] =	wrdreg s18  }
0xb2: {  	[dreg:$0x5] =	wrdreg $0x9  }
0xb3: {  	_ =	task.clear_ibuf [dreg:s8], $0x6FFFF;
	_ =	strace $0x90000046  }
0xb4: {  	s29 =	simm.s32 $0x9;
	_ =	strace $0x80000048  }
0xb5: {  	_ =	swait.ge [sflag:s29], $0x1  }
0xb6: {  	[sflag:s29] =	ssyncadd.s32 $0xFFFFFFFF  }
0xb7: {  	_ =	strace $0x90000048  }
0xb8: {  	_ =	sfence  }
0xb9: {  	s30 =	sld [smem:$0x0];
	_ =	sdelay $0x2  }
0xba: {  	s31 =	sshll.u32 s1, $0xD;
	s1 =	sshrl.u32 s1, $0x2  }
0xbb: {  	s3 =	sand.u32 $0x4000, s31;
	s1 =	sadd.s32 s1, s30  }
0xbc: {  	s0 =	sor.u32 s3, s0;
	s1 =	sshll.u32 s1, $0x11  }
0xbd: {  	s0 =	sor.u32 s1, s0  }
0xbe: {  	s0 =	sadd.s32 $0x8F2B, s0  }
0xbf: {  	[sflag:s0] =	ssyncadd.remote.s32 $0x1  }
0xc0: {  	_ =	sfence.sel $0xFFFF  }
0xc1: {  	[dreg:$0x0] =	wrdreg $0xFFFFFFFF;
	(pc) =	sbr.abs _section_cstart, $3  }
0xc2: {  	[dreg:$0x1] =	wrdreg $0xFFFFFFFF  }
0xc3: {  	_ =	task.clear_ibuf [dreg:s8], $0x2FFFF;
	_ =	strace $0x9FFFFFFF  }
0xc4: {  	(tm) =	ssettm $0x7FFFFFFF  }
0xc5: {  	_ =	shalt  }
tec
execute0_lowered:
.L_overlay_start_1:
0x0: {  	(tag) =	ssettag $0x1  }
0x1: {  	s0 =	rddreg [dreg:$0x0]  }
0x2: {  	s1 =	rddreg [dreg:$0x1]  }
0x3: {  	s3 =	srdreg.scid;
	s5 =	stileid.u32  }
0x4: {  	s2 =	rddreg [dreg:$0x2];
	s9 =	simm.s32 $0x9;
	s10 =	simm.s32 $0x80  }
0x5: {  	s11 =	simm.s32 $0x6400;
	s14 =	simm.s32 $0xA400;
	s17 =	simm.s32 $0x1  }
0x6: {  	s18 =	simm.s32 $0xE400;
	s19 =	simm.s32 $0x10400;
	s20 =	simm.s32 $0x2  }
0x7: {  	s21 =	simm.s32 $0x12400;
	s22 =	simm.s32 $0x14400;
	s23 =	simm.s32 $0x3  }
0x8: {  	s24 =	simm.s32 $0x4;
	s25 =	simm.s32 $0x5;
	s28 =	simm.s32 $0x7  }
0x9: {  	s29 =	simm.s32 $0x8;
	s4 =	sand.u32 $0x1, s3;
	s26 =	sshll.u32 s5, $0x1  }
0xa: {  	s30 =	simm.s32 $0x0;
	s3 =	simm.s32 $0x0;
	s5 =	sor.u32 s4, s26  }
0xb: {  	s6 =	ssub.s32 $0x2, s4;
	[smem:$0x7FF] =	sst s3;
	s7 =	smul.u32 $0xC80, s5  }
0xc: {  	s26 =	simm.s32 $0x6;
	s8 =	sshrl.u32 s6, $0x1;
	s4 =	smul.u32 $0x64, s5  }
0xd: {  	_ =	strace $0x80000047;
	s5 =	sadd.s32 $0xF42C00, s1;
	s31 =	ssub.s32 s6, s8  }
0xe: {  	s6 =	sadd.s32 s0, s7;
	s7 =	sor.u32 $0x1, s4;
	s8 =	smax.u32 s31, $0x1  }
.LBB2_1:
0xf: {  	[tilespmem:s3], [sflag:$0x9] =	stream.linear.gather [hbm4b:s6+s3], $0x6400, $0x38;
	[tilespmem:$0x16400] =	vst v63  }
0x10: {  	_ =	swait.ge [sflag:s9], $0x6400  }
0x11: {  	[sflag:s9] =	ssyncset.done $0x0  }
0x12: {  	[sflag:s9] =	ssyncadd.s32 $0xFFFF9C00  }
0x13: {  	[tilespmem:s11], [sflag:$0x1] =	stream.indirect.gather [hbm4b:s5+s10], $0x40, s3, s10, $0xb8;
	[tilespmem:$0x16400] =	vst v63  }
0x14: {  	s0 =	simm.s32 $0x8400  }
0x15: {  	[tilespmem:s0], [sflag:$0x1] =	stream.indirect.gather [hbm4b:s5+s10], $0x40, s10, s10, $0xb8;
	[tilespmem:$0x16400] =	vst v63  }
0x16: {  	s15 =	simm.s32 $0x100  }
0x17: {  	[tilespmem:s14], [sflag:$0x2] =	stream.indirect.gather [hbm4b:s5+s10], $0x40, s15, s10, $0xb8;
	[tilespmem:$0x16400] =	vst v63  }
0x18: {  	s16 =	simm.s32 $0x180;
	s1 =	simm.s32 $0xC400;
	s31 =	simm.s32 $0x0  }
0x19: {  	[tilespmem:s1], [sflag:$0x2] =	stream.indirect.gather [hbm4b:s5+s10], $0x40, s16, s10, $0xb8;
	[tilespmem:$0x16400] =	vst v63  }
.LBB2_2:
0x1a: {  	_ =	swait.ge [sflag:s17], $0x4000  }
0x1b: {  	p0 =	seq.s32 s31, $0x0;
	[sflag:s17] =	ssyncset.done $0x0  }
0x1c: {  	s12 =	sshll.u32 s31, $0x2;
	s1 =	simm.s32 @!p0 $0x7;
	[sflag:s17] =	ssyncadd.s32 $0xFFFFC000  }
0x1d: {  	s0 =	sor.u32 $0x2, s12;
	_ =	swait.ge @!p0 [sflag:s1], $0x4000  }
0x1e: {  	s13 =	sshll.u32 s0, $0x8;
	[sflag:s1] =	ssyncset.done @!p0 $0x0  }
0x1f: {  	s16 =	sand.u32 $0x3FFFFF00, s13;
	[sflag:s1] =	ssyncadd.s32 @!p0 $0xFFFFC000  }
0x20: {  	[tilespmem:s18], [sflag:$0x3] =	stream.indirect.gather [hbm4b:s5+s10], $0x40, s16, s10, $0xb8;
	[tilespmem:$0x16400] =	vst v63  }
0x21: {  	s1 =	sor.u32 $0x80, s16  }
0x22: {  	[tilespmem:s19], [sflag:$0x3] =	stream.indirect.gather [hbm4b:s5+s10], $0x40, s1, s10, $0xb8;
	[tilespmem:$0x16400] =	vst v63  }
0x23: {  	s1 =	simm.s32 $0x6500  }
0x24: {  	v0 =	vld [tilespmem:s1+$0xF0]  }
0x25: {  	v1 =	vld [tilespmem:s1+$0xFFFFFF10]  }
0x26: {  	v2 =	vld [tilespmem:s1+$0xFFFFFF20]  }
0x27: {  	v3 =	vld [tilespmem:s1+$0xFFFFFF30]  }
0x28: {  	v4 =	vld [tilespmem:s1+$0xFFFFFF40]  }
0x29: {  	v5 =	vld [tilespmem:s1+$0xFFFFFF50];
	v0 =	vmul.f32 $8.000000000e+00, v0  }
0x2a: {  	v6 =	vld [tilespmem:s1+$0xFFFFFF60];
	v1 =	vmul.f32 $8.000000000e+00, v1  }
0x2b: {  	v7 =	vld [tilespmem:s1+$0xFFFFFF70];
	v2 =	vmul.f32 $8.000000000e+00, v2;
	[tilespmem:s1+$0xF0] =	vst v0  }
0x2c: {  	[tilespmem:s1+$0xFFFFFF10] =	vst v1;
	v0 =	vmul.f32 $8.000000000e+00, v3;
	v1 =	vld [tilespmem:s1+$0xFFFFFF80]  }
0x2d: {  	[tilespmem:s1+$0xFFFFFF20] =	vst v2;
	v2 =	vmul.f32 $8.000000000e+00, v4;
	v3 =	vld [tilespmem:s1+$0xFFFFFF90]  }
0x2e: {  	v4 =	vld [tilespmem:s1+$0xFFFFFFA0];
	[tilespmem:s1+$0xFFFFFF30] =	vst v0;
	v0 =	vmul.f32 $8.000000000e+00, v5  }
0x2f: {  	[tilespmem:s1+$0xFFFFFF40] =	vst v2;
	v2 =	vmul.f32 $8.000000000e+00, v6;
	v5 =	vld [tilespmem:s1+$0xFFFFFFB0]  }
0x30: {  	v6 =	vld [tilespmem:s1+$0xFFFFFFC0];
	[tilespmem:s1+$0xFFFFFF50] =	vst v0;
	v0 =	vmul.f32 $8.000000000e+00, v7  }
0x31: {  	[tilespmem:s1+$0xFFFFFF60] =	vst v2;
	v2 =	vld [tilespmem:s1+$0xFFFFFFD0];
	v1 =	vmul.f32 $8.000000000e+00, v1  }
0x32: {  	[tilespmem:s1+$0xFFFFFF70] =	vst v0;
	v0 =	vmul.f32 $8.000000000e+00, v3;
	v3 =	vld [tilespmem:s1+$0xFFFFFFE0]  }
0x33: {  	[tilespmem:s1+$0xFFFFFF80] =	vst v1;
	v1 =	vmul.f32 $8.000000000e+00, v4;
	v4 =	vld [tilespmem:s1+$0xFFFFFFF0]  }
0x34: {  	[tilespmem:s1+$0xFFFFFF90] =	vst v0;
	v0 =	vmul.f32 $8.000000000e+00, v5;
	v5 =	vld [tilespmem:s1+$0x0]  }
0x35: {  	[tilespmem:s1+$0xFFFFFFA0] =	vst v1;
	v1 =	vmul.f32 $8.000000000e+00, v6;
	v6 =	vld [tilespmem:s1+$0x10]  }
0x36: {  	[tilespmem:s1+$0xFFFFFFB0] =	vst v0;
	v0 =	vmul.f32 $8.000000000e+00, v2;
	v2 =	vld [tilespmem:s1+$0x20]  }
0x37: {  	[tilespmem:s1+$0xFFFFFFC0] =	vst v1;
	v1 =	vmul.f32 $8.000000000e+00, v3;
	v3 =	vld [tilespmem:s1+$0x30]  }
0x38: {  	[tilespmem:s1+$0xFFFFFFD0] =	vst v0;
	v0 =	vmul.f32 $8.000000000e+00, v4;
	v4 =	vld [tilespmem:s1+$0x40]  }
0x39: {  	[tilespmem:s1+$0xFFFFFFE0] =	vst v1;
	v1 =	vmul.f32 $8.000000000e+00, v5;
	v5 =	vld [tilespmem:s1+$0x50]  }
0x3a: {  	[tilespmem:s1+$0xFFFFFFF0] =	vst v0;
	v0 =	vmul.f32 $8.000000000e+00, v6;
	v6 =	vld [tilespmem:s1+$0x60]  }
0x3b: {  	[tilespmem:s1+$0x0] =	vst v1;
	v1 =	vmul.f32 $8.000000000e+00, v2;
	v2 =	vld [tilespmem:s1+$0x70]  }
0x3c: {  	[tilespmem:s1+$0x10] =	vst v0;
	v0 =	vmul.f32 $8.000000000e+00, v3;
	v3 =	vld [tilespmem:s1+$0x80]  }
0x3d: {  	[tilespmem:s1+$0x20] =	vst v1;
	v1 =	vmul.f32 $8.000000000e+00, v4;
	v4 =	vld [tilespmem:s1+$0x90]  }
0x3e: {  	v7 =	vld [tilespmem:s1+$0xA0];
	[tilespmem:s1+$0x30] =	vst v0;
	v5 =	vmul.f32 $8.000000000e+00, v5  }
0x3f: {  	v0 =	vld [tilespmem:s1+$0xB0];
	[tilespmem:s1+$0x40] =	vst v1;
	v6 =	vmul.f32 $8.000000000e+00, v6  }
0x40: {  	v1 =	vld [tilespmem:s1+$0xC0];
	[tilespmem:s1+$0x50] =	vst v5;
	v5 =	vmul.f32 $8.000000000e+00, v2  }
0x41: {  	v2 =	vld [tilespmem:s1+$0xD0];
	[tilespmem:s1+$0x60] =	vst v6;
	v6 =	vmul.f32 $8.000000000e+00, v3  }
0x42: {  	v3 =	vld [tilespmem:s1+$0xE0];
	[tilespmem:s1+$0x70] =	vst v5;
	v5 =	vmul.f32 $8.000000000e+00, v4  }
0x43: {  	s15 =	simm.s32 $0x6700;
	s13 =	simm.s32 $0x0;
	v4 =	vld [tilespmem:s1+$0xFFFFFF00];
	[tilespmem:s1+$0x80] =	vst v6;
	v6 =	vmul.f32 $8.000000000e+00, v7  }
.LBB2_3:
0x44: {  	v7 =	vld [tilespmem:s15+$0xF0];
	s13 =	sadd.s32 $0x8, s13;
	[tilespmem:s1+$0x90] =	vst v5;
	v0 =	vmul.f32 $8.000000000e+00, v0  }
0x45: {  	v5 =	vld [tilespmem:s15+$0xFFFFFF10];
	p1 =	slt.u32 s13, $0xF8;
	[tilespmem:s1+$0xA0] =	vst v6;
	v1 =	vmul.f32 $8.000000000e+00, v1  }
0x46: {  	v6 =	vld [tilespmem:s15+$0xFFFFFF20];
	[tilespmem:s1+$0xB0] =	vst v0;
	v0 =	vmul.f32 $8.000000000e+00, v2  }
0x47: {  	v2 =	vld [tilespmem:s15+$0xFFFFFF30];
	[tilespmem:s1+$0xC0] =	vst v1;
	v1 =	vmul.f32 $8.000000000e+00, v3  }
0x48: {  	v3 =	vld [tilespmem:s15+$0xFFFFFF40];
	v4 =	vmul.f32 $8.000000000e+00, v4;
	[tilespmem:s1+$0xD0] =	vst v0  }
0x49: {  	v0 =	vld [tilespmem:s15+$0xFFFFFF50];
	v7 =	vmul.f32 $8.000000000e+00, v7;
	[tilespmem:s1+$0xE0] =	vst v1  }
0x4a: {  	v1 =	vmul.f32 $8.000000000e+00, v5;
	v5 =	vld [tilespmem:s15+$0xFFFFFF60];
	[tilespmem:s1+$0xFFFFFF00] =	vst v4;
	s1 =	smov.u32 s15  }
0x4b: {  	v4 =	vmul.f32 $8.000000000e+00, v6;
	v6 =	vld [tilespmem:s15+$0xFFFFFF70];
	[tilespmem:s15+$0xF0] =	vst v7  }
0x4c: {  	[tilespmem:s15+$0xFFFFFF10] =	vst v1;
	v1 =	vmul.f32 $8.000000000e+00, v2;
	v2 =	vld [tilespmem:s15+$0xFFFFFF80]  }
0x4d: {  	[tilespmem:s15+$0xFFFFFF20] =	vst v4;
	v3 =	vmul.f32 $8.000000000e+00, v3;
	v4 =	vld [tilespmem:s15+$0xFFFFFF90]  }
0x4e: {  	[tilespmem:s15+$0xFFFFFF30] =	vst v1;
	v0 =	vmul.f32 $8.000000000e+00, v0;
	v1 =	vld [tilespmem:s15+$0xFFFFFFA0]  }
0x4f: {  	[tilespmem:s15+$0xFFFFFF40] =	vst v3;
	v3 =	vmul.f32 $8.000000000e+00, v5;
	v5 =	vld [tilespmem:s15+$0xFFFFFFB0]  }
0x50: {  	[tilespmem:s15+$0xFFFFFF50] =	vst v0;
	v0 =	vmul.f32 $8.000000000e+00, v6;
	v6 =	vld [tilespmem:s15+$0xFFFFFFC0]  }
0x51: {  	[tilespmem:s15+$0xFFFFFF60] =	vst v3;
	v2 =	vmul.f32 $8.000000000e+00, v2;
	v3 =	vld [tilespmem:s15+$0xFFFFFFD0]  }
0x52: {  	[tilespmem:s15+$0xFFFFFF70] =	vst v0;
	v0 =	vmul.f32 $8.000000000e+00, v4;
	v4 =	vld [tilespmem:s15+$0xFFFFFFE0]  }
0x53: {  	[tilespmem:s15+$0xFFFFFF80] =	vst v2;
	v1 =	vmul.f32 $8.000000000e+00, v1;
	v2 =	vld [tilespmem:s15+$0xFFFFFFF0]  }
0x54: {  	[tilespmem:s15+$0xFFFFFF90] =	vst v0;
	v0 =	vmul.f32 $8.000000000e+00, v5;
	v5 =	vld [tilespmem:s15+$0x0]  }
0x55: {  	[tilespmem:s15+$0xFFFFFFA0] =	vst v1;
	v1 =	vmul.f32 $8.000000000e+00, v6;
	v6 =	vld [tilespmem:s15+$0x10]  }
0x56: {  	[tilespmem:s15+$0xFFFFFFB0] =	vst v0;
	v0 =	vmul.f32 $8.000000000e+00, v3;
	v3 =	vld [tilespmem:s15+$0x20]  }
0x57: {  	[tilespmem:s15+$0xFFFFFFC0] =	vst v1;
	v1 =	vmul.f32 $8.000000000e+00, v4;
	v4 =	vld [tilespmem:s15+$0x30]  }
0x58: {  	[tilespmem:s15+$0xFFFFFFD0] =	vst v0;
	v0 =	vmul.f32 $8.000000000e+00, v2;
	v2 =	vld [tilespmem:s15+$0x40]  }
0x59: {  	[tilespmem:s15+$0xFFFFFFE0] =	vst v1;
	v1 =	vmul.f32 $8.000000000e+00, v5;
	v5 =	vld [tilespmem:s15+$0x50]  }
0x5a: {  	[tilespmem:s15+$0xFFFFFFF0] =	vst v0;
	v0 =	vmul.f32 $8.000000000e+00, v6;
	v6 =	vld [tilespmem:s15+$0x60]  }
0x5b: {  	[tilespmem:s15+$0x0] =	vst v1;
	v1 =	vmul.f32 $8.000000000e+00, v3;
	v3 =	vld [tilespmem:s15+$0x70]  }
0x5c: {  	[tilespmem:s15+$0x10] =	vst v0;
	v0 =	vmul.f32 $8.000000000e+00, v4;
	v4 =	vld [tilespmem:s15+$0x80]  }
0x5d: {  	[tilespmem:s15+$0x20] =	vst v1;
	v1 =	vmul.f32 $8.000000000e+00, v2;
	v7 =	vld [tilespmem:s15+$0x90]  }
0x5e: {  	[tilespmem:s15+$0x30] =	vst v0;
	v2 =	vmul.f32 $8.000000000e+00, v5;
	v8 =	vld [tilespmem:s15+$0xA0]  }
.Ltmp0:
0x5f: {  	[tilespmem:s15+$0x40] =	vst v1;
	v5 =	vmul.f32 $8.000000000e+00, v6;
	v0 =	vld [tilespmem:s15+$0xB0];
	(pc) =	sbr.rel @p1 .LBB2_3-.Ltmp0, $4  }
0x60: {  	[tilespmem:s15+$0x50] =	vst v2;
	v3 =	vmul.f32 $8.000000000e+00, v3;
	v1 =	vld [tilespmem:s15+$0xC0]  }
0x61: {  	[tilespmem:s15+$0x60] =	vst v5;
	v6 =	vmul.f32 $8.000000000e+00, v4;
	v2 =	vld [tilespmem:s15+$0xD0]  }
0x62: {  	[tilespmem:s15+$0x70] =	vst v3;
	v5 =	vmul.f32 $8.000000000e+00, v7;
	v3 =	vld [tilespmem:s15+$0xE0]  }
0x63: {  	s15 =	sadd.s32 $0x200, s15;
	v4 =	vld [tilespmem:s1+$0xFFFFFF00];
	[tilespmem:s1+$0x80] =	vst v6;
	v6 =	vmul.f32 $8.000000000e+00, v8  }
0x64: {  	[tilespmem:s1+$0x90] =	vst v5;
	v0 =	vmul.f32 $8.000000000e+00, v0  }
0x65: {  	[tilespmem:s1+$0xA0] =	vst v6;
	v1 =	vmul.f32 $8.000000000e+00, v1  }
0x66: {  	[tilespmem:s1+$0xB0] =	vst v0;
	v0 =	vmul.f32 $8.000000000e+00, v2  }
0x67: {  	[tilespmem:s1+$0xC0] =	vst v1;
	v1 =	vmul.f32 $8.000000000e+00, v3  }
0x68: {  	s13 =	sadd.s32 s4, s12;
	v2 =	vmul.f32 $8.000000000e+00, v4;
	[tilespmem:s1+$0xD0] =	vst v0  }
0x69: {  	s13 =	sshll.u32 s13, $0xB;
	[tilespmem:s1+$0xE0] =	vst v1  }
0x6a: {  	s15 =	sadd.s32 s2, s13;
	[tilespmem:s1+$0xFFFFFF00] =	vst v2  }
0x6b: {  	[hbm4b:s15+s3] =	stream.linear.scatter [tilespmem:s11], [sflag:$0x5], $0x4000, $0x38;
	[tilespmem:$0x16400] =	vst v63  }
0x6c: {  	_ =	swait.ge [sflag:s20], $0x4000  }
0x6d: {  	[sflag:s20] =	ssyncset.done $0x0  }
0x6e: {  	s13 =	simm.s32 @!p0 $0x8;
	[sflag:s20] =	ssyncadd.s32 $0xFFFFC000  }
0x6f: {  	s1 =	sor.u32 $0x3, s12;
	_ =	swait.ge @!p0 [sflag:s13], $0x4000  }
0x70: {  	s15 =	sshll.u32 s1, $0x8;
	[sflag:s13] =	ssyncset.done @!p0 $0x0  }
0x71: {  	s16 =	sand.u32 $0x3FFFFF00, s15;
	[sflag:s13] =	ssyncadd.s32 @!p0 $0xFFFFC000  }
0x72: {  	[tilespmem:s21], [sflag:$0x4] =	stream.indirect.gather [hbm4b:s5+s10], $0x40, s16, s10, $0xb8;
	[tilespmem:$0x16400] =	vst v63  }
0x73: {  	s13 =	sor.u32 $0x80, s16  }
0x74: {  	[tilespmem:s22], [sflag:$0x4] =	stream.indirect.gather [hbm4b:s5+s10], $0x40, s13, s10, $0xb8;
	[tilespmem:$0x16400] =	vst v63  }
0x75: {  	s13 =	simm.s32 $0xA500  }
0x76: {  	v0 =	vld [tilespmem:s13+$0xF0]  }
0x77: {  	v1 =	vld [tilespmem:s13+$0xFFFFFF10]  }
0x78: {  	v2 =	vld [tilespmem:s13+$0xFFFFFF20]  }
0x79: {  	v3 =	vld [tilespmem:s13+$0xFFFFFF30]  }
0x7a: {  	v4 =	vld [tilespmem:s13+$0xFFFFFF40]  }
0x7b: {  	v5 =	vld [tilespmem:s13+$0xFFFFFF50];
	v0 =	vmul.f32 $8.000000000e+00, v0  }
0x7c: {  	v6 =	vld [tilespmem:s13+$0xFFFFFF60];
	v1 =	vmul.f32 $8.000000000e+00, v1  }
0x7d: {  	v7 =	vld [tilespmem:s13+$0xFFFFFF70];
	v2 =	vmul.f32 $8.000000000e+00, v2;
	[tilespmem:s13+$0xF0] =	vst v0  }
0x7e: {  	[tilespmem:s13+$0xFFFFFF10] =	vst v1;
	v0 =	vmul.f32 $8.000000000e+00, v3;
	v1 =	vld [tilespmem:s13+$0xFFFFFF80]  }
0x7f: {  	[tilespmem:s13+$0xFFFFFF20] =	vst v2;
	v2 =	vmul.f32 $8.000000000e+00, v4;
	v3 =	vld [tilespmem:s13+$0xFFFFFF90]  }
0x80: {  	v4 =	vld [tilespmem:s13+$0xFFFFFFA0];
	[tilespmem:s13+$0xFFFFFF30] =	vst v0;
	v0 =	vmul.f32 $8.000000000e+00, v5  }
0x81: {  	[tilespmem:s13+$0xFFFFFF40] =	vst v2;
	v2 =	vmul.f32 $8.000000000e+00, v6;
	v5 =	vld [tilespmem:s13+$0xFFFFFFB0]  }
0x82: {  	v6 =	vld [tilespmem:s13+$0xFFFFFFC0];
	[tilespmem:s13+$0xFFFFFF50] =	vst v0;
	v0 =	vmul.f32 $8.000000000e+00, v7  }
0x83: {  	[tilespmem:s13+$0xFFFFFF60] =	vst v2;
	v2 =	vld [tilespmem:s13+$0xFFFFFFD0];
	v1 =	vmul.f32 $8.000000000e+00, v1  }
0x84: {  	[tilespmem:s13+$0xFFFFFF70] =	vst v0;
	v0 =	vmul.f32 $8.000000000e+00, v3;
	v3 =	vld [tilespmem:s13+$0xFFFFFFE0]  }
0x85: {  	[tilespmem:s13+$0xFFFFFF80] =	vst v1;
	v1 =	vmul.f32 $8.000000000e+00, v4;
	v4 =	vld [tilespmem:s13+$0xFFFFFFF0]  }
0x86: {  	[tilespmem:s13+$0xFFFFFF90] =	vst v0;
	v0 =	vmul.f32 $8.000000000e+00, v5;
	v5 =	vld [tilespmem:s13+$0x0]  }
0x87: {  	[tilespmem:s13+$0xFFFFFFA0] =	vst v1;
	v1 =	vmul.f32 $8.000000000e+00, v6;
	v6 =	vld [tilespmem:s13+$0x10]  }
0x88: {  	[tilespmem:s13+$0xFFFFFFB0] =	vst v0;
	v0 =	vmul.f32 $8.000000000e+00, v2;
	v2 =	vld [tilespmem:s13+$0x20]  }
0x89: {  	[tilespmem:s13+$0xFFFFFFC0] =	vst v1;
	v1 =	vmul.f32 $8.000000000e+00, v3;
	v3 =	vld [tilespmem:s13+$0x30]  }
0x8a: {  	[tilespmem:s13+$0xFFFFFFD0] =	vst v0;
	v0 =	vmul.f32 $8.000000000e+00, v4;
	v4 =	vld [tilespmem:s13+$0x40]  }
0x8b: {  	[tilespmem:s13+$0xFFFFFFE0] =	vst v1;
	v1 =	vmul.f32 $8.000000000e+00, v5;
	v5 =	vld [tilespmem:s13+$0x50]  }
0x8c: {  	[tilespmem:s13+$0xFFFFFFF0] =	vst v0;
	v0 =	vmul.f32 $8.000000000e+00, v6;
	v6 =	vld [tilespmem:s13+$0x60]  }
0x8d: {  	[tilespmem:s13+$0x0] =	vst v1;
	v1 =	vmul.f32 $8.000000000e+00, v2;
	v2 =	vld [tilespmem:s13+$0x70]  }
0x8e: {  	[tilespmem:s13+$0x10] =	vst v0;
	v0 =	vmul.f32 $8.000000000e+00, v3;
	v3 =	vld [tilespmem:s13+$0x80]  }
0x8f: {  	[tilespmem:s13+$0x20] =	vst v1;
	v1 =	vmul.f32 $8.000000000e+00, v4;
	v4 =	vld [tilespmem:s13+$0x90]  }
0x90: {  	v7 =	vld [tilespmem:s13+$0xA0];
	[tilespmem:s13+$0x30] =	vst v0;
	v5 =	vmul.f32 $8.000000000e+00, v5  }
0x91: {  	v0 =	vld [tilespmem:s13+$0xB0];
	[tilespmem:s13+$0x40] =	vst v1;
	v6 =	vmul.f32 $8.000000000e+00, v6  }
0x92: {  	v1 =	vld [tilespmem:s13+$0xC0];
	[tilespmem:s13+$0x50] =	vst v5;
	v5 =	vmul.f32 $8.000000000e+00, v2  }
0x93: {  	v2 =	vld [tilespmem:s13+$0xD0];
	[tilespmem:s13+$0x60] =	vst v6;
	v6 =	vmul.f32 $8.000000000e+00, v3  }
0x94: {  	v3 =	vld [tilespmem:s13+$0xE0];
	[tilespmem:s13+$0x70] =	vst v5;
	v5 =	vmul.f32 $8.000000000e+00, v4  }
0x95: {  	s15 =	simm.s32 $0x0;
	s16 =	simm.s32 $0xA700;
	v4 =	vld [tilespmem:s13+$0xFFFFFF00];
	[tilespmem:s13+$0x80] =	vst v6;
	v6 =	vmul.f32 $8.000000000e+00, v7  }
.LBB2_5:
0x96: {  	v7 =	vld [tilespmem:s16+$0xF0];
	s15 =	sadd.s32 $0x8, s15;
	[tilespmem:s13+$0x90] =	vst v5;
	v0 =	vmul.f32 $8.000000000e+00, v0  }
0x97: {  	v5 =	vld [tilespmem:s16+$0xFFFFFF10];
	p0 =	slt.u32 s15, $0xF8;
	[tilespmem:s13+$0xA0] =	vst v6;
	v1 =	vmul.f32 $8.000000000e+00, v1  }
0x98: {  	v6 =	vld [tilespmem:s16+$0xFFFFFF20];
	[tilespmem:s13+$0xB0] =	vst v0;
	v0 =	vmul.f32 $8.000000000e+00, v2  }
0x99: {  	v2 =	vld [tilespmem:s16+$0xFFFFFF30];
	[tilespmem:s13+$0xC0] =	vst v1;
	v1 =	vmul.f32 $8.000000000e+00, v3  }
0x9a: {  	v3 =	vld [tilespmem:s16+$0xFFFFFF40];
	v4 =	vmul.f32 $8.000000000e+00, v4;
	[tilespmem:s13+$0xD0] =	vst v0  }
0x9b: {  	v0 =	vld [tilespmem:s16+$0xFFFFFF50];
	v7 =	vmul.f32 $8.000000000e+00, v7;
	[tilespmem:s13+$0xE0] =	vst v1  }
0x9c: {  	v1 =	vmul.f32 $8.000000000e+00, v5;
	v5 =	vld [tilespmem:s16+$0xFFFFFF60];
	[tilespmem:s13+$0xFFFFFF00] =	vst v4;
	s13 =	smov.u32 s16  }
0x9d: {  	v4 =	vmul.f32 $8.000000000e+00, v6;
	v6 =	vld [tilespmem:s16+$0xFFFFFF70];
	[tilespmem:s16+$0xF0] =	vst v7  }
0x9e: {  	[tilespmem:s16+$0xFFFFFF10] =	vst v1;
	v1 =	vmul.f32 $8.000000000e+00, v2;
	v2 =	vld [tilespmem:s16+$0xFFFFFF80]  }
0x9f: {  	[tilespmem:s16+$0xFFFFFF20] =	vst v4;
	v3 =	vmul.f32 $8.000000000e+00, v3;
	v4 =	vld [tilespmem:s16+$0xFFFFFF90]  }
0xa0: {  	[tilespmem:s16+$0xFFFFFF30] =	vst v1;
	v0 =	vmul.f32 $8.000000000e+00, v0;
	v1 =	vld [tilespmem:s16+$0xFFFFFFA0]  }
0xa1: {  	[tilespmem:s16+$0xFFFFFF40] =	vst v3;
	v3 =	vmul.f32 $8.000000000e+00, v5;
	v5 =	vld [tilespmem:s16+$0xFFFFFFB0]  }
0xa2: {  	[tilespmem:s16+$0xFFFFFF50] =	vst v0;
	v0 =	vmul.f32 $8.000000000e+00, v6;
	v6 =	vld [tilespmem:s16+$0xFFFFFFC0]  }
0xa3: {  	[tilespmem:s16+$0xFFFFFF60] =	vst v3;
	v2 =	vmul.f32 $8.000000000e+00, v2;
	v3 =	vld [tilespmem:s16+$0xFFFFFFD0]  }
0xa4: {  	[tilespmem:s16+$0xFFFFFF70] =	vst v0;
	v0 =	vmul.f32 $8.000000000e+00, v4;
	v4 =	vld [tilespmem:s16+$0xFFFFFFE0]  }
0xa5: {  	[tilespmem:s16+$0xFFFFFF80] =	vst v2;
	v1 =	vmul.f32 $8.000000000e+00, v1;
	v2 =	vld [tilespmem:s16+$0xFFFFFFF0]  }
0xa6: {  	[tilespmem:s16+$0xFFFFFF90] =	vst v0;
	v0 =	vmul.f32 $8.000000000e+00, v5;
	v5 =	vld [tilespmem:s16+$0x0]  }
0xa7: {  	[tilespmem:s16+$0xFFFFFFA0] =	vst v1;
	v1 =	vmul.f32 $8.000000000e+00, v6;
	v6 =	vld [tilespmem:s16+$0x10]  }
0xa8: {  	[tilespmem:s16+$0xFFFFFFB0] =	vst v0;
	v0 =	vmul.f32 $8.000000000e+00, v3;
	v3 =	vld [tilespmem:s16+$0x20]  }
0xa9: {  	[tilespmem:s16+$0xFFFFFFC0] =	vst v1;
	v1 =	vmul.f32 $8.000000000e+00, v4;
	v4 =	vld [tilespmem:s16+$0x30]  }
0xaa: {  	[tilespmem:s16+$0xFFFFFFD0] =	vst v0;
	v0 =	vmul.f32 $8.000000000e+00, v2;
	v2 =	vld [tilespmem:s16+$0x40]  }
0xab: {  	[tilespmem:s16+$0xFFFFFFE0] =	vst v1;
	v1 =	vmul.f32 $8.000000000e+00, v5;
	v5 =	vld [tilespmem:s16+$0x50]  }
0xac: {  	[tilespmem:s16+$0xFFFFFFF0] =	vst v0;
	v0 =	vmul.f32 $8.000000000e+00, v6;
	v6 =	vld [tilespmem:s16+$0x60]  }
0xad: {  	[tilespmem:s16+$0x0] =	vst v1;
	v1 =	vmul.f32 $8.000000000e+00, v3;
	v3 =	vld [tilespmem:s16+$0x70]  }
0xae: {  	[tilespmem:s16+$0x10] =	vst v0;
	v0 =	vmul.f32 $8.000000000e+00, v4;
	v4 =	vld [tilespmem:s16+$0x80]  }
0xaf: {  	[tilespmem:s16+$0x20] =	vst v1;
	v1 =	vmul.f32 $8.000000000e+00, v2;
	v7 =	vld [tilespmem:s16+$0x90]  }
0xb0: {  	[tilespmem:s16+$0x30] =	vst v0;
	v2 =	vmul.f32 $8.000000000e+00, v5;
	v8 =	vld [tilespmem:s16+$0xA0]  }
.Ltmp1:
0xb1: {  	[tilespmem:s16+$0x40] =	vst v1;
	v5 =	vmul.f32 $8.000000000e+00, v6;
	v0 =	vld [tilespmem:s16+$0xB0];
	(pc) =	sbr.rel @p0 .LBB2_5-.Ltmp1, $4  }
0xb2: {  	[tilespmem:s16+$0x50] =	vst v2;
	v3 =	vmul.f32 $8.000000000e+00, v3;
	v1 =	vld [tilespmem:s16+$0xC0]  }
0xb3: {  	[tilespmem:s16+$0x60] =	vst v5;
	v6 =	vmul.f32 $8.000000000e+00, v4;
	v2 =	vld [tilespmem:s16+$0xD0]  }
0xb4: {  	[tilespmem:s16+$0x70] =	vst v3;
	v5 =	vmul.f32 $8.000000000e+00, v7;
	v3 =	vld [tilespmem:s16+$0xE0]  }
0xb5: {  	s16 =	sadd.s32 $0x200, s16;
	v4 =	vld [tilespmem:s13+$0xFFFFFF00];
	[tilespmem:s13+$0x80] =	vst v6;
	v6 =	vmul.f32 $8.000000000e+00, v8  }
0xb6: {  	[tilespmem:s13+$0x90] =	vst v5;
	v0 =	vmul.f32 $8.000000000e+00, v0  }
0xb7: {  	[tilespmem:s13+$0xA0] =	vst v6;
	v1 =	vmul.f32 $8.000000000e+00, v1  }
0xb8: {  	[tilespmem:s13+$0xB0] =	vst v0;
	v0 =	vmul.f32 $8.000000000e+00, v2  }
0xb9: {  	s12 =	sadd.s32 s12, s7;
	[tilespmem:s13+$0xC0] =	vst v1;
	v1 =	vmul.f32 $8.000000000e+00, v3  }
0xba: {  	s12 =	sshll.u32 s12, $0xB;
	v2 =	vmul.f32 $8.000000000e+00, v4;
	[tilespmem:s13+$0xD0] =	vst v0  }
0xbb: {  	s12 =	sand.u32 $0x1FFFE800, s12;
	[tilespmem:s13+$0xE0] =	vst v1  }
0xbc: {  	s12 =	sadd.s32 s2, s12;
	[tilespmem:s13+$0xFFFFFF00] =	vst v2  }
0xbd: {  	[hbm4b:s12+s3] =	stream.linear.scatter [tilespmem:s14], [sflag:$0x6], $0x4000, $0x38;
	[tilespmem:$0x16400] =	vst v63  }
0xbe: {  	_ =	swait.ge [sflag:s23], $0x4000  }
0xbf: {  	p0 =	seq.s32 s31, $0x18;
	[sflag:s23] =	ssyncset.done $0x0  }
0xc0: {  	s12 =	simm.s32 @!p0 $0x5;
	[sflag:s23] =	ssyncadd.s32 $0xFFFFC000  }
0xc1: {  	_ =	swait.ge @!p0 [sflag:s12], $0x4000  }
0xc2: {  	s13 =	sshll.u32 @!p0 s31, $0xA;
	[sflag:s12] =	ssyncset.done @!p0 $0x0  }
0xc3: {  	[sflag:s12] =	ssyncadd.s32 @!p0 $0xFFFFC000;
	s12 =	sand.u32 @!p0 $0x3FFFFC00, s13  }
0xc4: {  	s15 =	simm.s32 @!p0 $0x80;
	s16 =	simm.s32 @!p0 $0x6400;
	s13 =	sadd.s32 @!p0 $0x400, s12  }
0xc5: {  	[tilespmem:s16], [sflag:$0x1] =	stream.indirect.gather @!p0 [hbm4b:s5+s15], $0x40, s13, s15, $0xb8;
	[tilespmem:$0x16400] =	vst v63  }
0xc6: {  	s13 =	sadd.s32 @!p0 $0x480, s12;
	s16 =	simm.s32 @!p0 $0x8400  }
0xc7: {  	[tilespmem:s16], [sflag:$0x1] =	stream.indirect.gather @!p0 [hbm4b:s5+s15], $0x40, s13, s15, $0xb8;
	[tilespmem:$0x16400] =	vst v63  }
0xc8: {  	s13 =	simm.s32 $0xE500  }
0xc9: {  	v0 =	vld [tilespmem:s13+$0xF0]  }
0xca: {  	v1 =	vld [tilespmem:s13+$0xFFFFFF10]  }
0xcb: {  	v2 =	vld [tilespmem:s13+$0xFFFFFF20]  }
0xcc: {  	v3 =	vld [tilespmem:s13+$0xFFFFFF30]  }
0xcd: {  	v4 =	vld [tilespmem:s13+$0xFFFFFF40]  }
0xce: {  	v5 =	vld [tilespmem:s13+$0xFFFFFF50];
	v0 =	vmul.f32 $8.000000000e+00, v0  }
0xcf: {  	v6 =	vld [tilespmem:s13+$0xFFFFFF60];
	v1 =	vmul.f32 $8.000000000e+00, v1  }
0xd0: {  	v7 =	vld [tilespmem:s13+$0xFFFFFF70];
	v2 =	vmul.f32 $8.000000000e+00, v2;
	[tilespmem:s13+$0xF0] =	vst v0  }
0xd1: {  	[tilespmem:s13+$0xFFFFFF10] =	vst v1;
	v0 =	vmul.f32 $8.000000000e+00, v3;
	v1 =	vld [tilespmem:s13+$0xFFFFFF80]  }
0xd2: {  	[tilespmem:s13+$0xFFFFFF20] =	vst v2;
	v2 =	vmul.f32 $8.000000000e+00, v4;
	v3 =	vld [tilespmem:s13+$0xFFFFFF90]  }
0xd3: {  	v4 =	vld [tilespmem:s13+$0xFFFFFFA0];
	[tilespmem:s13+$0xFFFFFF30] =	vst v0;
	v0 =	vmul.f32 $8.000000000e+00, v5  }
0xd4: {  	[tilespmem:s13+$0xFFFFFF40] =	vst v2;
	v2 =	vmul.f32 $8.000000000e+00, v6;
	v5 =	vld [tilespmem:s13+$0xFFFFFFB0]  }
0xd5: {  	v6 =	vld [tilespmem:s13+$0xFFFFFFC0];
	[tilespmem:s13+$0xFFFFFF50] =	vst v0;
	v0 =	vmul.f32 $8.000000000e+00, v7  }
0xd6: {  	[tilespmem:s13+$0xFFFFFF60] =	vst v2;
	v2 =	vld [tilespmem:s13+$0xFFFFFFD0];
	v1 =	vmul.f32 $8.000000000e+00, v1  }
0xd7: {  	[tilespmem:s13+$0xFFFFFF70] =	vst v0;
	v0 =	vmul.f32 $8.000000000e+00, v3;
	v3 =	vld [tilespmem:s13+$0xFFFFFFE0]  }
0xd8: {  	[tilespmem:s13+$0xFFFFFF80] =	vst v1;
	v1 =	vmul.f32 $8.000000000e+00, v4;
	v4 =	vld [tilespmem:s13+$0xFFFFFFF0]  }
0xd9: {  	[tilespmem:s13+$0xFFFFFF90] =	vst v0;
	v0 =	vmul.f32 $8.000000000e+00, v5;
	v5 =	vld [tilespmem:s13+$0x0]  }
0xda: {  	[tilespmem:s13+$0xFFFFFFA0] =	vst v1;
	v1 =	vmul.f32 $8.000000000e+00, v6;
	v6 =	vld [tilespmem:s13+$0x10]  }
0xdb: {  	[tilespmem:s13+$0xFFFFFFB0] =	vst v0;
	v0 =	vmul.f32 $8.000000000e+00, v2;
	v2 =	vld [tilespmem:s13+$0x20]  }
0xdc: {  	[tilespmem:s13+$0xFFFFFFC0] =	vst v1;
	v1 =	vmul.f32 $8.000000000e+00, v3;
	v3 =	vld [tilespmem:s13+$0x30]  }
0xdd: {  	[tilespmem:s13+$0xFFFFFFD0] =	vst v0;
	v0 =	vmul.f32 $8.000000000e+00, v4;
	v4 =	vld [tilespmem:s13+$0x40]  }
0xde: {  	[tilespmem:s13+$0xFFFFFFE0] =	vst v1;
	v1 =	vmul.f32 $8.000000000e+00, v5;
	v5 =	vld [tilespmem:s13+$0x50]  }
0xdf: {  	[tilespmem:s13+$0xFFFFFFF0] =	vst v0;
	v0 =	vmul.f32 $8.000000000e+00, v6;
	v6 =	vld [tilespmem:s13+$0x60]  }
0xe0: {  	[tilespmem:s13+$0x0] =	vst v1;
	v1 =	vmul.f32 $8.000000000e+00, v2;
	v2 =	vld [tilespmem:s13+$0x70]  }
0xe1: {  	[tilespmem:s13+$0x10] =	vst v0;
	v0 =	vmul.f32 $8.000000000e+00, v3;
	v3 =	vld [tilespmem:s13+$0x80]  }
0xe2: {  	[tilespmem:s13+$0x20] =	vst v1;
	v1 =	vmul.f32 $8.000000000e+00, v4;
	v4 =	vld [tilespmem:s13+$0x90]  }
0xe3: {  	v7 =	vld [tilespmem:s13+$0xA0];
	[tilespmem:s13+$0x30] =	vst v0;
	v5 =	vmul.f32 $8.000000000e+00, v5  }
0xe4: {  	v0 =	vld [tilespmem:s13+$0xB0];
	[tilespmem:s13+$0x40] =	vst v1;
	v6 =	vmul.f32 $8.000000000e+00, v6  }
0xe5: {  	v1 =	vld [tilespmem:s13+$0xC0];
	[tilespmem:s13+$0x50] =	vst v5;
	v5 =	vmul.f32 $8.000000000e+00, v2  }
0xe6: {  	v2 =	vld [tilespmem:s13+$0xD0];
	[tilespmem:s13+$0x60] =	vst v6;
	v6 =	vmul.f32 $8.000000000e+00, v3  }
0xe7: {  	v3 =	vld [tilespmem:s13+$0xE0];
	[tilespmem:s13+$0x70] =	vst v5;
	v5 =	vmul.f32 $8.000000000e+00, v4  }
0xe8: {  	s15 =	simm.s32 $0x0;
	s16 =	simm.s32 $0xE700;
	v4 =	vld [tilespmem:s13+$0xFFFFFF00];
	[tilespmem:s13+$0x80] =	vst v6;
	v6 =	vmul.f32 $8.000000000e+00, v7  }
.LBB2_7:
0xe9: {  	v7 =	vld [tilespmem:s16+$0xF0];
	s15 =	sadd.s32 $0x8, s15;
	[tilespmem:s13+$0x90] =	vst v5;
	v0 =	vmul.f32 $8.000000000e+00, v0  }
0xea: {  	v5 =	vld [tilespmem:s16+$0xFFFFFF10];
	p1 =	slt.u32 s15, $0xF8;
	[tilespmem:s13+$0xA0] =	vst v6;
	v1 =	vmul.f32 $8.000000000e+00, v1  }
0xeb: {  	v6 =	vld [tilespmem:s16+$0xFFFFFF20];
	[tilespmem:s13+$0xB0] =	vst v0;
	v0 =	vmul.f32 $8.000000000e+00, v2  }
0xec: {  	v2 =	vld [tilespmem:s16+$0xFFFFFF30];
	[tilespmem:s13+$0xC0] =	vst v1;
	v1 =	vmul.f32 $8.000000000e+00, v3  }
0xed: {  	v3 =	vld [tilespmem:s16+$0xFFFFFF40];
	v4 =	vmul.f32 $8.000000000e+00, v4;
	[tilespmem:s13+$0xD0] =	vst v0  }
0xee: {  	v0 =	vld [tilespmem:s16+$0xFFFFFF50];
	v7 =	vmul.f32 $8.000000000e+00, v7;
	[tilespmem:s13+$0xE0] =	vst v1  }
0xef: {  	v1 =	vmul.f32 $8.000000000e+00, v5;
	v5 =	vld [tilespmem:s16+$0xFFFFFF60];
	[tilespmem:s13+$0xFFFFFF00] =	vst v4;
	s13 =	smov.u32 s16  }
0xf0: {  	v4 =	vmul.f32 $8.000000000e+00, v6;
	v6 =	vld [tilespmem:s16+$0xFFFFFF70];
	[tilespmem:s16+$0xF0] =	vst v7  }
0xf1: {  	[tilespmem:s16+$0xFFFFFF10] =	vst v1;
	v1 =	vmul.f32 $8.000000000e+00, v2;
	v2 =	vld [tilespmem:s16+$0xFFFFFF80]  }
0xf2: {  	[tilespmem:s16+$0xFFFFFF20] =	vst v4;
	v3 =	vmul.f32 $8.000000000e+00, v3;
	v4 =	vld [tilespmem:s16+$0xFFFFFF90]  }
0xf3: {  	[tilespmem:s16+$0xFFFFFF30] =	vst v1;
	v0 =	vmul.f32 $8.000000000e+00, v0;
	v1 =	vld [tilespmem:s16+$0xFFFFFFA0]  }
0xf4: {  	[tilespmem:s16+$0xFFFFFF40] =	vst v3;
	v3 =	vmul.f32 $8.000000000e+00, v5;
	v5 =	vld [tilespmem:s16+$0xFFFFFFB0]  }
0xf5: {  	[tilespmem:s16+$0xFFFFFF50] =	vst v0;
	v0 =	vmul.f32 $8.000000000e+00, v6;
	v6 =	vld [tilespmem:s16+$0xFFFFFFC0]  }
0xf6: {  	[tilespmem:s16+$0xFFFFFF60] =	vst v3;
	v2 =	vmul.f32 $8.000000000e+00, v2;
	v3 =	vld [tilespmem:s16+$0xFFFFFFD0]  }
0xf7: {  	[tilespmem:s16+$0xFFFFFF70] =	vst v0;
	v0 =	vmul.f32 $8.000000000e+00, v4;
	v4 =	vld [tilespmem:s16+$0xFFFFFFE0]  }
0xf8: {  	[tilespmem:s16+$0xFFFFFF80] =	vst v2;
	v1 =	vmul.f32 $8.000000000e+00, v1;
	v2 =	vld [tilespmem:s16+$0xFFFFFFF0]  }
0xf9: {  	[tilespmem:s16+$0xFFFFFF90] =	vst v0;
	v0 =	vmul.f32 $8.000000000e+00, v5;
	v5 =	vld [tilespmem:s16+$0x0]  }
0xfa: {  	[tilespmem:s16+$0xFFFFFFA0] =	vst v1;
	v1 =	vmul.f32 $8.000000000e+00, v6;
	v6 =	vld [tilespmem:s16+$0x10]  }
0xfb: {  	[tilespmem:s16+$0xFFFFFFB0] =	vst v0;
	v0 =	vmul.f32 $8.000000000e+00, v3;
	v3 =	vld [tilespmem:s16+$0x20]  }
0xfc: {  	[tilespmem:s16+$0xFFFFFFC0] =	vst v1;
	v1 =	vmul.f32 $8.000000000e+00, v4;
	v4 =	vld [tilespmem:s16+$0x30]  }
0xfd: {  	[tilespmem:s16+$0xFFFFFFD0] =	vst v0;
	v0 =	vmul.f32 $8.000000000e+00, v2;
	v2 =	vld [tilespmem:s16+$0x40]  }
0xfe: {  	[tilespmem:s16+$0xFFFFFFE0] =	vst v1;
	v1 =	vmul.f32 $8.000000000e+00, v5;
	v5 =	vld [tilespmem:s16+$0x50]  }
0xff: {  	[tilespmem:s16+$0xFFFFFFF0] =	vst v0;
	v0 =	vmul.f32 $8.000000000e+00, v6;
	v6 =	vld [tilespmem:s16+$0x60]  }
0x100: {  	[tilespmem:s16+$0x0] =	vst v1;
	v1 =	vmul.f32 $8.000000000e+00, v3;
	v3 =	vld [tilespmem:s16+$0x70]  }
0x101: {  	[tilespmem:s16+$0x10] =	vst v0;
	v0 =	vmul.f32 $8.000000000e+00, v4;
	v4 =	vld [tilespmem:s16+$0x80]  }
0x102: {  	[tilespmem:s16+$0x20] =	vst v1;
	v1 =	vmul.f32 $8.000000000e+00, v2;
	v7 =	vld [tilespmem:s16+$0x90]  }
0x103: {  	[tilespmem:s16+$0x30] =	vst v0;
	v2 =	vmul.f32 $8.000000000e+00, v5;
	v8 =	vld [tilespmem:s16+$0xA0]  }
.Ltmp2:
0x104: {  	[tilespmem:s16+$0x40] =	vst v1;
	v5 =	vmul.f32 $8.000000000e+00, v6;
	v0 =	vld [tilespmem:s16+$0xB0];
	(pc) =	sbr.rel @p1 .LBB2_7-.Ltmp2, $4  }
0x105: {  	[tilespmem:s16+$0x50] =	vst v2;
	v3 =	vmul.f32 $8.000000000e+00, v3;
	v1 =	vld [tilespmem:s16+$0xC0]  }
0x106: {  	[tilespmem:s16+$0x60] =	vst v5;
	v6 =	vmul.f32 $8.000000000e+00, v4;
	v2 =	vld [tilespmem:s16+$0xD0]  }
0x107: {  	[tilespmem:s16+$0x70] =	vst v3;
	v5 =	vmul.f32 $8.000000000e+00, v7;
	v3 =	vld [tilespmem:s16+$0xE0]  }
0x108: {  	s16 =	sadd.s32 $0x200, s16;
	v4 =	vld [tilespmem:s13+$0xFFFFFF00];
	[tilespmem:s13+$0x80] =	vst v6;
	v6 =	vmul.f32 $8.000000000e+00, v8  }
0x109: {  	[tilespmem:s13+$0x90] =	vst v5;
	v0 =	vmul.f32 $8.000000000e+00, v0  }
0x10a: {  	[tilespmem:s13+$0xA0] =	vst v6;
	v1 =	vmul.f32 $8.000000000e+00, v1  }
0x10b: {  	[tilespmem:s13+$0xB0] =	vst v0;
	v0 =	vmul.f32 $8.000000000e+00, v2  }
0x10c: {  	s0 =	sadd.s32 s4, s0;
	[tilespmem:s13+$0xC0] =	vst v1;
	v1 =	vmul.f32 $8.000000000e+00, v3  }
0x10d: {  	s0 =	sshll.u32 s0, $0xB;
	v2 =	vmul.f32 $8.000000000e+00, v4;
	[tilespmem:s13+$0xD0] =	vst v0  }
0x10e: {  	s0 =	sand.u32 $0x1FFFF000, s0;
	[tilespmem:s13+$0xE0] =	vst v1  }
0x10f: {  	s0 =	sadd.s32 s2, s0;
	[tilespmem:s13+$0xFFFFFF00] =	vst v2  }
0x110: {  	[hbm4b:s0+s3] =	stream.linear.scatter [tilespmem:s18], [sflag:$0x7], $0x4000, $0x38;
	[tilespmem:$0x16400] =	vst v63  }
0x111: {  	_ =	swait.ge [sflag:s24], $0x4000  }
0x112: {  	[sflag:s24] =	ssyncset.done $0x0  }
0x113: {  	s0 =	simm.s32 @!p0 $0x6;
	[sflag:s24] =	ssyncadd.s32 $0xFFFFC000  }
0x114: {  	_ =	swait.ge @!p0 [sflag:s0], $0x4000  }
0x115: {  	s15 =	simm.s32 @!p0 $0xA400;
	[sflag:s0] =	ssyncset.done @!p0 $0x0  }
0x116: {  	s13 =	simm.s32 @!p0 $0x80;
	[sflag:s0] =	ssyncadd.s32 @!p0 $0xFFFFC000;
	s0 =	sadd.s32 @!p0 $0x500, s12  }
0x117: {  	[tilespmem:s15], [sflag:$0x2] =	stream.indirect.gather @!p0 [hbm4b:s5+s13], $0x40, s0, s13, $0xb8;
	[tilespmem:$0x16400] =	vst v63  }
0x118: {  	s0 =	sadd.s32 @!p0 $0x580, s12;
	s12 =	simm.s32 @!p0 $0xC400  }
0x119: {  	[tilespmem:s12], [sflag:$0x2] =	stream.indirect.gather @!p0 [hbm4b:s5+s13], $0x40, s0, s13, $0xb8;
	[tilespmem:$0x16400] =	vst v63  }
0x11a: {  	s0 =	simm.s32 $0x12500  }
0x11b: {  	v0 =	vld [tilespmem:s0+$0xF0]  }
0x11c: {  	v1 =	vld [tilespmem:s0+$0xFFFFFF10]  }
0x11d: {  	v2 =	vld [tilespmem:s0+$0xFFFFFF20]  }
0x11e: {  	v3 =	vld [tilespmem:s0+$0xFFFFFF30]  }
0x11f: {  	v4 =	vld [tilespmem:s0+$0xFFFFFF40]  }
0x120: {  	v5 =	vld [tilespmem:s0+$0xFFFFFF50];
	v0 =	vmul.f32 $8.000000000e+00, v0  }
0x121: {  	v6 =	vld [tilespmem:s0+$0xFFFFFF60];
	v1 =	vmul.f32 $8.000000000e+00, v1  }
0x122: {  	v7 =	vld [tilespmem:s0+$0xFFFFFF70];
	v2 =	vmul.f32 $8.000000000e+00, v2;
	[tilespmem:s0+$0xF0] =	vst v0  }
0x123: {  	[tilespmem:s0+$0xFFFFFF10] =	vst v1;
	v0 =	vmul.f32 $8.000000000e+00, v3;
	v1 =	vld [tilespmem:s0+$0xFFFFFF80]  }
0x124: {  	[tilespmem:s0+$0xFFFFFF20] =	vst v2;
	v2 =	vmul.f32 $8.000000000e+00, v4;
	v3 =	vld [tilespmem:s0+$0xFFFFFF90]  }
0x125: {  	v4 =	vld [tilespmem:s0+$0xFFFFFFA0];
	[tilespmem:s0+$0xFFFFFF30] =	vst v0;
	v0 =	vmul.f32 $8.000000000e+00, v5  }
0x126: {  	[tilespmem:s0+$0xFFFFFF40] =	vst v2;
	v2 =	vmul.f32 $8.000000000e+00, v6;
	v5 =	vld [tilespmem:s0+$0xFFFFFFB0]  }
0x127: {  	v6 =	vld [tilespmem:s0+$0xFFFFFFC0];
	[tilespmem:s0+$0xFFFFFF50] =	vst v0;
	v0 =	vmul.f32 $8.000000000e+00, v7  }
0x128: {  	[tilespmem:s0+$0xFFFFFF60] =	vst v2;
	v2 =	vld [tilespmem:s0+$0xFFFFFFD0];
	v1 =	vmul.f32 $8.000000000e+00, v1  }
0x129: {  	[tilespmem:s0+$0xFFFFFF70] =	vst v0;
	v0 =	vmul.f32 $8.000000000e+00, v3;
	v3 =	vld [tilespmem:s0+$0xFFFFFFE0]  }
0x12a: {  	[tilespmem:s0+$0xFFFFFF80] =	vst v1;
	v1 =	vmul.f32 $8.000000000e+00, v4;
	v4 =	vld [tilespmem:s0+$0xFFFFFFF0]  }
0x12b: {  	[tilespmem:s0+$0xFFFFFF90] =	vst v0;
	v0 =	vmul.f32 $8.000000000e+00, v5;
	v5 =	vld [tilespmem:s0+$0x0]  }
0x12c: {  	[tilespmem:s0+$0xFFFFFFA0] =	vst v1;
	v1 =	vmul.f32 $8.000000000e+00, v6;
	v6 =	vld [tilespmem:s0+$0x10]  }
0x12d: {  	[tilespmem:s0+$0xFFFFFFB0] =	vst v0;
	v0 =	vmul.f32 $8.000000000e+00, v2;
	v2 =	vld [tilespmem:s0+$0x20]  }
0x12e: {  	[tilespmem:s0+$0xFFFFFFC0] =	vst v1;
	v1 =	vmul.f32 $8.000000000e+00, v3;
	v3 =	vld [tilespmem:s0+$0x30]  }
0x12f: {  	[tilespmem:s0+$0xFFFFFFD0] =	vst v0;
	v0 =	vmul.f32 $8.000000000e+00, v4;
	v4 =	vld [tilespmem:s0+$0x40]  }
0x130: {  	[tilespmem:s0+$0xFFFFFFE0] =	vst v1;
	v1 =	vmul.f32 $8.000000000e+00, v5;
	v5 =	vld [tilespmem:s0+$0x50]  }
0x131: {  	[tilespmem:s0+$0xFFFFFFF0] =	vst v0;
	v0 =	vmul.f32 $8.000000000e+00, v6;
	v6 =	vld [tilespmem:s0+$0x60]  }
0x132: {  	[tilespmem:s0+$0x0] =	vst v1;
	v1 =	vmul.f32 $8.000000000e+00, v2;
	v2 =	vld [tilespmem:s0+$0x70]  }
0x133: {  	[tilespmem:s0+$0x10] =	vst v0;
	v0 =	vmul.f32 $8.000000000e+00, v3;
	v3 =	vld [tilespmem:s0+$0x80]  }
0x134: {  	[tilespmem:s0+$0x20] =	vst v1;
	v1 =	vmul.f32 $8.000000000e+00, v4;
	v4 =	vld [tilespmem:s0+$0x90]  }
0x135: {  	v7 =	vld [tilespmem:s0+$0xA0];
	[tilespmem:s0+$0x30] =	vst v0;
	v5 =	vmul.f32 $8.000000000e+00, v5  }
0x136: {  	v0 =	vld [tilespmem:s0+$0xB0];
	[tilespmem:s0+$0x40] =	vst v1;
	v6 =	vmul.f32 $8.000000000e+00, v6  }
0x137: {  	v1 =	vld [tilespmem:s0+$0xC0];
	[tilespmem:s0+$0x50] =	vst v5;
	v5 =	vmul.f32 $8.000000000e+00, v2  }
0x138: {  	v2 =	vld [tilespmem:s0+$0xD0];
	[tilespmem:s0+$0x60] =	vst v6;
	v6 =	vmul.f32 $8.000000000e+00, v3  }
0x139: {  	v3 =	vld [tilespmem:s0+$0xE0];
	[tilespmem:s0+$0x70] =	vst v5;
	v5 =	vmul.f32 $8.000000000e+00, v4  }
0x13a: {  	s12 =	simm.s32 $0x0;
	s13 =	simm.s32 $0x12700;
	v4 =	vld [tilespmem:s0+$0xFFFFFF00];
	[tilespmem:s0+$0x80] =	vst v6;
	v6 =	vmul.f32 $8.000000000e+00, v7  }
.LBB2_9:
0x13b: {  	v7 =	vld [tilespmem:s13+$0xF0];
	s12 =	sadd.s32 $0x8, s12;
	[tilespmem:s0+$0x90] =	vst v5;
	v0 =	vmul.f32 $8.000000000e+00, v0  }
0x13c: {  	v5 =	vld [tilespmem:s13+$0xFFFFFF10];
	p0 =	slt.u32 s12, $0xF8;
	[tilespmem:s0+$0xA0] =	vst v6;
	v1 =	vmul.f32 $8.000000000e+00, v1  }
0x13d: {  	v6 =	vld [tilespmem:s13+$0xFFFFFF20];
	[tilespmem:s0+$0xB0] =	vst v0;
	v0 =	vmul.f32 $8.000000000e+00, v2  }
0x13e: {  	v2 =	vld [tilespmem:s13+$0xFFFFFF30];
	[tilespmem:s0+$0xC0] =	vst v1;
	v1 =	vmul.f32 $8.000000000e+00, v3  }
0x13f: {  	v3 =	vld [tilespmem:s13+$0xFFFFFF40];
	v4 =	vmul.f32 $8.000000000e+00, v4;
	[tilespmem:s0+$0xD0] =	vst v0  }
0x140: {  	v0 =	vld [tilespmem:s13+$0xFFFFFF50];
	v7 =	vmul.f32 $8.000000000e+00, v7;
	[tilespmem:s0+$0xE0] =	vst v1  }
0x141: {  	v1 =	vmul.f32 $8.000000000e+00, v5;
	v5 =	vld [tilespmem:s13+$0xFFFFFF60];
	[tilespmem:s0+$0xFFFFFF00] =	vst v4;
	s0 =	smov.u32 s13  }
0x142: {  	v4 =	vmul.f32 $8.000000000e+00, v6;
	v6 =	vld [tilespmem:s13+$0xFFFFFF70];
	[tilespmem:s13+$0xF0] =	vst v7  }
0x143: {  	[tilespmem:s13+$0xFFFFFF10] =	vst v1;
	v1 =	vmul.f32 $8.000000000e+00, v2;
	v2 =	vld [tilespmem:s13+$0xFFFFFF80]  }
0x144: {  	[tilespmem:s13+$0xFFFFFF20] =	vst v4;
	v3 =	vmul.f32 $8.000000000e+00, v3;
	v4 =	vld [tilespmem:s13+$0xFFFFFF90]  }
0x145: {  	[tilespmem:s13+$0xFFFFFF30] =	vst v1;
	v0 =	vmul.f32 $8.000000000e+00, v0;
	v1 =	vld [tilespmem:s13+$0xFFFFFFA0]  }
0x146: {  	[tilespmem:s13+$0xFFFFFF40] =	vst v3;
	v3 =	vmul.f32 $8.000000000e+00, v5;
	v5 =	vld [tilespmem:s13+$0xFFFFFFB0]  }
0x147: {  	[tilespmem:s13+$0xFFFFFF50] =	vst v0;
	v0 =	vmul.f32 $8.000000000e+00, v6;
	v6 =	vld [tilespmem:s13+$0xFFFFFFC0]  }
0x148: {  	[tilespmem:s13+$0xFFFFFF60] =	vst v3;
	v2 =	vmul.f32 $8.000000000e+00, v2;
	v3 =	vld [tilespmem:s13+$0xFFFFFFD0]  }
0x149: {  	[tilespmem:s13+$0xFFFFFF70] =	vst v0;
	v0 =	vmul.f32 $8.000000000e+00, v4;
	v4 =	vld [tilespmem:s13+$0xFFFFFFE0]  }
0x14a: {  	[tilespmem:s13+$0xFFFFFF80] =	vst v2;
	v1 =	vmul.f32 $8.000000000e+00, v1;
	v2 =	vld [tilespmem:s13+$0xFFFFFFF0]  }
0x14b: {  	[tilespmem:s13+$0xFFFFFF90] =	vst v0;
	v0 =	vmul.f32 $8.000000000e+00, v5;
	v5 =	vld [tilespmem:s13+$0x0]  }
0x14c: {  	[tilespmem:s13+$0xFFFFFFA0] =	vst v1;
	v1 =	vmul.f32 $8.000000000e+00, v6;
	v6 =	vld [tilespmem:s13+$0x10]  }
0x14d: {  	[tilespmem:s13+$0xFFFFFFB0] =	vst v0;
	v0 =	vmul.f32 $8.000000000e+00, v3;
	v3 =	vld [tilespmem:s13+$0x20]  }
0x14e: {  	[tilespmem:s13+$0xFFFFFFC0] =	vst v1;
	v1 =	vmul.f32 $8.000000000e+00, v4;
	v4 =	vld [tilespmem:s13+$0x30]  }
0x14f: {  	[tilespmem:s13+$0xFFFFFFD0] =	vst v0;
	v0 =	vmul.f32 $8.000000000e+00, v2;
	v2 =	vld [tilespmem:s13+$0x40]  }
0x150: {  	[tilespmem:s13+$0xFFFFFFE0] =	vst v1;
	v1 =	vmul.f32 $8.000000000e+00, v5;
	v5 =	vld [tilespmem:s13+$0x50]  }
0x151: {  	[tilespmem:s13+$0xFFFFFFF0] =	vst v0;
	v0 =	vmul.f32 $8.000000000e+00, v6;
	v6 =	vld [tilespmem:s13+$0x60]  }
0x152: {  	[tilespmem:s13+$0x0] =	vst v1;
	v1 =	vmul.f32 $8.000000000e+00, v3;
	v3 =	vld [tilespmem:s13+$0x70]  }
0x153: {  	[tilespmem:s13+$0x10] =	vst v0;
	v0 =	vmul.f32 $8.000000000e+00, v4;
	v4 =	vld [tilespmem:s13+$0x80]  }
0x154: {  	[tilespmem:s13+$0x20] =	vst v1;
	v1 =	vmul.f32 $8.000000000e+00, v2;
	v7 =	vld [tilespmem:s13+$0x90]  }
0x155: {  	[tilespmem:s13+$0x30] =	vst v0;
	v2 =	vmul.f32 $8.000000000e+00, v5;
	v8 =	vld [tilespmem:s13+$0xA0]  }
.Ltmp3:
0x156: {  	[tilespmem:s13+$0x40] =	vst v1;
	v5 =	vmul.f32 $8.000000000e+00, v6;
	v0 =	vld [tilespmem:s13+$0xB0];
	(pc) =	sbr.rel @p0 .LBB2_9-.Ltmp3, $4  }
0x157: {  	[tilespmem:s13+$0x50] =	vst v2;
	v3 =	vmul.f32 $8.000000000e+00, v3;
	v1 =	vld [tilespmem:s13+$0xC0]  }
0x158: {  	[tilespmem:s13+$0x60] =	vst v5;
	v6 =	vmul.f32 $8.000000000e+00, v4;
	v2 =	vld [tilespmem:s13+$0xD0]  }
0x159: {  	[tilespmem:s13+$0x70] =	vst v3;
	v5 =	vmul.f32 $8.000000000e+00, v7;
	v3 =	vld [tilespmem:s13+$0xE0]  }
0x15a: {  	s13 =	sadd.s32 $0x200, s13;
	v4 =	vld [tilespmem:s0+$0xFFFFFF00];
	[tilespmem:s0+$0x80] =	vst v6;
	v6 =	vmul.f32 $8.000000000e+00, v8  }
0x15b: {  	[tilespmem:s0+$0x90] =	vst v5;
	v0 =	vmul.f32 $8.000000000e+00, v0  }
0x15c: {  	s31 =	sadd.s32 $0x1, s31;
	[tilespmem:s0+$0xA0] =	vst v6;
	v1 =	vmul.f32 $8.000000000e+00, v1  }
0x15d: {  	p0 =	sne.s32 s31, $0x19;
	[tilespmem:s0+$0xB0] =	vst v0;
	v61 =	vmul.f32 $8.000000000e+00, v2  }
.Ltmp4:
0x15e: {  	s1 =	sadd.s32 s4, s1;
	[tilespmem:s0+$0xC0] =	vst v1;
	v62 =	vmul.f32 $8.000000000e+00, v3;
	(pc) =	sbr.rel @p0 .LBB2_2-.Ltmp4, $4  }
0x15f: {  	s1 =	sshll.u32 s1, $0xB;
	v63 =	vmul.f32 $8.000000000e+00, v4;
	[tilespmem:s0+$0xD0] =	vst v61  }
0x160: {  	s1 =	sand.u32 $0x1FFFF800, s1;
	[tilespmem:s0+$0xE0] =	vst v62  }
0x161: {  	s16 =	sadd.s32 s2, s1;
	[tilespmem:s0+$0xFFFFFF00] =	vst v63  }
0x162: {  	[hbm4b:s16+s3] =	stream.linear.scatter [tilespmem:s21], [sflag:$0x8], $0x4000, $0x38;
	[tilespmem:$0x16400] =	vst v63  }
0x163: {  	_ =	swait.ge [sflag:s25], $0x4000  }
0x164: {  	[sflag:s25] =	ssyncset.done $0x0  }
0x165: {  	[sflag:s25] =	ssyncadd.s32 $0xFFFFC000  }
0x166: {  	_ =	swait.ge [sflag:s26], $0x4000  }
0x167: {  	[sflag:s26] =	ssyncset.done $0x0  }
0x168: {  	s30 =	sadd.s32 $0x1, s30;
	[sflag:s26] =	ssyncadd.s32 $0xFFFFC000  }
0x169: {  	p0 =	sne.s32 s30, s8;
	_ =	swait.ge [sflag:s28], $0x4000  }
.Ltmp5:
0x16a: {  	[sflag:s28] =	ssyncset.done $0x0;
	(pc) =	sbr.rel @p0 .LBB2_1-.Ltmp5, $4  }
0x16b: {  	[sflag:s28] =	ssyncadd.s32 $0xFFFFC000  }
0x16c: {  	_ =	swait.ge [sflag:s29], $0x4000  }
0x16d: {  	[sflag:s29] =	ssyncset.done $0x0  }
0x16e: {  	[sflag:s29] =	ssyncadd.s32 $0xFFFFC000  }
0x16f: {  	_ =	sfence.sel $0x180000  }
0x170: {  	[bflag:$0x0] =	sbarrier.arrive $0xFFFF  }
0x171: {  	_ =	strace $0x90000047  }
0x172: {  	s0 =	stileid.u32;
	[bflag:$0x2] =	sbarrier.arrive $0xFFFF  }
0x173: {  	p0 =	sne.s32 s0, $0x0;
	s0 =	rddreg [dreg:$0x3]  }
0x174: {  	s0 =	sadd.s32 @!p0 $0x100000, s0  }
0x175: {  	[sflag:s0] =	ssyncadd.tile.s32 @!p0 $0x1;
	_ =	shalt  }
.Lfunc_end2:
_tile_overlayer_lowered:
.L_overlay_start_2:
0x176: {  	(tag) =	ssettag $0x2  }
0x177: {  	s0 =	rddreg [dreg:$0x0];
	s2 =	stileid.u32  }
0x178: {  	s1 =	rddreg [dreg:$0x1];
	p0 =	sne.s32 s2, $0x0  }
0x179: {  	s3 =	rddreg [dreg:$0x2];
	[bflag:$0x3] =	sbarrier.arrive $0xFFFF;
	s2 =	simm.s32 @!p0 $0x1C09  }
0x17a: {  	[timem:s3], [sflag:s2] =	dma.local @!p0 [hbm:s0], s1  }
0x17b: {  	s0 =	simm.s32 @!p0 $0x9  }
0x17c: {  	_ =	swait.ge @!p0 [sflag:s0], s1  }
0x17d: {  	s1 =	ssub.s32 @!p0 $0x0, s1;
	[sflag:s0] =	ssyncset.done @!p0 $0x0  }
0x17e: {  	[sflag:s0] =	ssyncadd.s32 @!p0 s1  }
0x17f: {  	[bflag:$0x3] =	sbarrier.arrive $0xFFFF  }
0x180: {  	_ =	shalt  }

// kernel: sparse-core-data-format-call.cloned.1.call-start
scs
called_computation_lowered:
.L_overlay_start_0:
0x0: {  	s2 =	sld [smem:$0x3FD9]  }
0x1: {  	s3 =	sld [smem:$0x3FFE];
	_ =	sdelay $0x1  }
0x2: {  	s1 =	srdreg.scid  }
0x3: {  	s0 =	sand.u32 $0x1, s1  }
0x4: {  	s18 =	sshll.u32 s0, $0xA;
	s2 =	sadd.s32 s3, s2  }
0x5: {  	s2 =	sadd.s32 s2, s18  }
0x6: {  	[smem:$0x3FC6] =	sst s2  }
0x7: {  	_ = 	snop  }
0x8: {  	s2 =	sld [smem:$0x3FD0];
	(tm) =	ssettm $0x1  }
0x9: {  	s19 =	sld [smem:$0x3FFB];
	_ =	sdelay $0x3  }
0xa: {  	_ =	strace s19  }
0xb: {  	s3 =	sld [smem:$0x3FFC];
	_ =	sdelay $0x3  }
0xc: {  	_ =	strace s3  }
0xd: {  	s3 =	sld [smem:$0x3FFD];
	_ =	sdelay $0x3  }
0xe: {  	_ =	strace s3  }
0xf: {  	_ =	strace $0x8FFFFFFF  }
0x10: {  	s20 =	sld [smem:$0x3FDB];
	_ =	sdelay $0x1  }
0x11: {  	s4 =	simm.s32 $_scs_section_size  }
0x12: {  	s5 =	simm.s32 $_size__tile_overlayer_lowered;
	s6 =	simm.s32 $_tile_overlayer_lowered  }
0x13: {  	s23 =	simm.s32 $0x1BFF;
	s22 =	sshll.u32 s6, $0x1;
	s3 =	sadd.s32 s4, s20  }
0x14: {  	s7 =	simm.s32 $0x0;
	s21 =	sshll.u32 s5, $0x1;
	s5 =	sadd.s32 s22, s3  }
0x15: {  	[timem:s7], [sflag:s23] =	dma.local [hbm:s5], s21  }
0x16: {  	_ =	swait.ge [sflag:s23], s21  }
0x17: {  	s4 =	ssub.s32 $0x0, s21;
	[sflag:s23] =	ssyncset.done $0x0  }
0x18: {  	[sflag:s23] =	ssyncadd.s32 s4;
	_ =	sdelay $0x1  }
0x19: {  	s24 =	simm.s32 $0x1B8B  }
0x1a: {  	_ =	swait.ge [sflag:s24], $0x1  }
0x1b: {  	[sflag:s24] =	ssyncset.done $0x0  }
0x1c: {  	s26 =	simm.s32 $0x1B8E;
	s25 =	sld [smem:$0x3FFE];
	[sflag:s24] =	ssyncadd.s32 $0xFFFFFFFF  }
0x1d: {  	s27 =	simm.s32 $execute0_lowered;
	[smem:$0x3FD2] =	sst s26  }
0x1e: {  	s5 =	sshll.u32 s27, $0x1;
	_ =	strace $0x80000049;
	[dreg:$0x1] =	wrdreg $0xFFFFFFFF  }
0x1f: {  	s28 =	simm.s32 $_size_execute0_lowered;
	s3 =	sadd.s32 s3, s5;
	[dreg:$0x0] =	wrdreg $0x0  }
0x20: {  	s5 =	sshll.u32 s28, $0x1;
	[dreg:$0x2] =	wrdreg s3  }
0x21: {  	[dreg:$0x3] =	wrdreg s5  }
0x22: {  	[dreg:$0x4] =	wrdreg $0xC0  }
0x23: {  	_ =	task [dreg:s7], $0x5FFFF  }
0x24: {  	[dreg:$0x1] =	wrdreg $0xFFFFFFFF  }
0x25: {  	[dreg:$0x0] =	wrdreg $0x60  }
0x26: {  	[dreg:$0x2] =	wrdreg s25  }
0x27: {  	[dreg:$0x3] =	wrdreg s2  }
0x28: {  	[dreg:$0x4] =	wrdreg $0x9  }
0x29: {  	_ =	task.clear_ibuf [dreg:s7], $0x5FFFF;
	_ =	strace $0x90000049  }
0x2a: {  	s29 =	simm.s32 $0x9;
	_ =	strace $0x8000004B  }
0x2b: {  	_ =	swait.ge [sflag:s29], $0x1  }
0x2c: {  	[sflag:s29] =	ssyncadd.s32 $0xFFFFFFFF  }
0x2d: {  	_ =	strace $0x9000004B  }
0x2e: {  	_ =	sfence  }
0x2f: {  	s30 =	sld [smem:$0x0];
	_ =	sdelay $0x2  }
0x30: {  	s31 =	sshll.u32 s1, $0xD;
	s1 =	sshrl.u32 s1, $0x2  }
0x31: {  	s3 =	sand.u32 $0x4000, s31;
	s1 =	sadd.s32 s1, s30  }
0x32: {  	s0 =	sor.u32 s3, s0;
	s1 =	sshll.u32 s1, $0x11  }
0x33: {  	s0 =	sor.u32 s1, s0  }
0x34: {  	s0 =	sadd.s32 $0x8F2B, s0  }
0x35: {  	[sflag:s0] =	ssyncadd.remote.s32 $0x1  }
0x36: {  	_ =	sfence.sel $0xFFFF  }
0x37: {  	[dreg:$0x0] =	wrdreg $0xFFFFFFFF;
	(pc) =	sbr.abs _section_cstart, $3  }
0x38: {  	[dreg:$0x1] =	wrdreg $0xFFFFFFFF  }
0x39: {  	_ =	task.clear_ibuf [dreg:s7], $0x2FFFF;
	_ =	strace $0x9FFFFFFF  }
0x3a: {  	(tm) =	ssettm $0x7FFFFFFF  }
0x3b: {  	_ =	shalt  }
tec
execute0_lowered:
.L_overlay_start_1:
0x0: {  	(tag) =	ssettag $0x1  }
0x1: {  	s0 =	srdreg.scid  }
0x2: {  	s1 =	sshll.u32 s0, $0x4  }
0x3: {  	s4 =	rddreg [dreg:$0x0];
	s0 =	stileid.u32;
	s1 =	sand.u32 $0x10, s1  }
0x4: {  	s2 =	rddreg [dreg:$0x1];
	s7 =	simm.s32 $0x1;
	s1 =	sor.u32 s0, s1  }
0x5: {  	s8 =	simm.s32 $0x2;
	s11 =	simm.s32 $0x0;
	s3 =	sshll.u32 s1, $0x7  }
0x6: {  	s10 =	simm.s32 $0x0;
	s4 =	sadd.s32 $0x800, s4;
	s6 =	ssub.s32 $0xC8000, s3  }
.Ltmp0:
0x7: {  	s1 =	rddreg [dreg:$0x2];
	s5 =	sand.u32 $0xF80, s6;
	(pc) =	sbr.rel .LBB1_1-.Ltmp0, $4  }
0x8: {  	_ =	strace $0x8000004A;
	s9 =	smov.u32 s3;
	p0 =	sne.s32 s5, $0x0  }
0x9: {  	s6 =	sshrl.u32 s6, $0xC;
	s5 =	simm.s32 $0x1;
	s7 =	simm.s32 @!p0 $0x0  }
0xa: {  	[sflag:s5] =	ssyncpa.u1 $0x0;
	p0 =	por $0x0, $0x0;
	s6 =	sadd.s32 s7, s6  }
0xb: {  	[sflag:s8] =	ssyncpa.u1 $0x0;
	s8 =	simm.s32 $0x640000;
	s7 =	sadd.s32 $0x1, s6  }
.LBB1_4:
0xc: {  	s14 =	sshll.u32 s11, $0x3  }
0xd: {  	s30 =	sand.u32 $0x7F, s11;
	s15 =	sand.u32 $0xFFFFFC00, s14  }
0xe: {  	s11 =	sor.u32 s30, s15  }
0xf: {  	s15 =	smulhi.u32 $0x51EB851F, s11  }
0x10: {  	s14 =	smulhi.u32 $0x51EB851F, s14  }
0x11: {  	s15 =	sshrl.u32 s15, $0x12  }
0x12: {  	s14 =	sshrl.u32 s14, $0x12;
	s15 =	smul.u32 $0xC8000, s15  }
0x13: {  	s14 =	sand.u32 $0x3F, s14  }
0x14: {  	s14 =	smul.u32 $0x19000, s14;
	s11 =	ssub.s32 s11, s15  }
0x15: {  	[tilespmem:s13+$0x810 ss:$0x81] =	vst.msk $0xffff, v2;
	s15 =	sand.u32 $0x7, s11  }
0x16: {  	[tilespmem:s13+$0x1020 ss:$0x81] =	vst.msk $0xffff, v0;
	s14 =	sadd.s32 s2, s14;
	s11 =	sshrl.u32 s11, $0x3;
	s15 =	sshll.u32 s15, $0x12  }
0x17: {  	[tilespmem:s13+$0x0 ss:$0x81] =	vst.msk $0xffff, v1;
	s11 =	sadd.s32 s11, s14;
	s31 =	sor.u32 $0x400, s15  }
0x18: {  	[hbm4b:s11+s31] =	stream.strided.scatter [tilespmem:s12], [sflag:$0x2], $0x2000, s8, s31, $0x20;
	[tilespmem:$0x8080] =	vst v63  }
.LBB1_5:
0x19: {  	s13 =	sadd.s32 $0x1000, s9  }
0x1a: {  	p2 =	sgt.s32 s13, $0xC7FFF  }
0x1b: {  	s13 =	smov.u32 @p2 s3;
	p2 =	sne.s32 s10, s7  }
.Ltmp1:
0x1c: {  	p1 =	slt.u32 s10, $0x2;
	(pc) =	sbr.rel @!p2 .LBB1_6-.Ltmp1, $4  }
0x1d: {  	s12 =	simm.s32 @!p1 $0x2  }
0x1e: {  	s14 =	sadd.s32 $0x1, s10;
	_ =	swait.ge @!p1 [sflag:s12], $0x2000  }
0x1f: {  	s11 =	smov.u32 s9;
	p0 =	por !p0, !p0;
	[sflag:s12] =	ssyncset.done @!p1 $0x0  }
0x20: {  	s10 =	smov.u32 s14;
	s9 =	smov.u32 s13;
	[sflag:s12] =	ssyncadd.s32 @!p1 $0xFFFFE000  }
.LBB1_1:
0x21: {  	p1 =	sge.u32 s10, s6  }
0x22: {  	s12 =	sand.u32 @!p1 $0x1FFFFFF, s9  }
0x23: {  	s13 =	smulhi.u32 @!p1 $0x147AE15, s12;
	_ =	sdelay $0x1  }
0x24: {  	s13 =	sshrl.u32 @!p1 s13, $0xC  }
0x25: {  	s13 =	smul.u32 @!p1 $0xC8000, s13;
	_ =	sdelay $0x1  }
0x26: {  	s31 =	sadd.s32 $0xFFFFFFFF, s10;
	s14 =	sxor.u32 @!p1 $0xFFFFFFFF, s10;
	s12 =	ssub.s32 @!p1 s12, s13  }
0x27: {  	s15 =	simm.s32 @!p1 $0x80;
	s14 =	sshll.u32 @!p1 s14, $0xD;
	s12 =	sshll.u32 @!p1 s12, $0x4  }
0x28: {  	s13 =	sand.u32 @!p1 $0x2000, s14;
	s14 =	simm.s32 @!p1 $0x40;
	s12 =	sadd.s32 @!p1 s4, s12  }
0x29: {  	[tilespmem:s13], [sflag:$0x1] =	stream.strided.gather @!p1 [hbm4b:s12+s14], $0x2000, s15, s14, $0x38;
	[tilespmem:$0x8080] =	vst v63  }
0x2a: {  	p1 =	sge.u32 s31, s6  }
.Ltmp2:
0x2b: {  	_ = 	snop;
	(pc) =	sbr.rel @p1 .LBB1_5-.Ltmp2, $1  }
0x2c: {  	_ =	sdelay $0x3  }
0x2d: {  	s12 =	simm.s32 $0x1  }
0x2e: {  	_ =	swait.ge [sflag:s5], $0x2000;
	s12 =	simm.s32 @!p0 $0x0  }
0x2f: {  	[sflag:s5] =	ssyncset.done $0x0;
	s13 =	sshll.u32 s12, $0xD  }
0x30: {  	[sflag:s5] =	ssyncadd.s32 $0xFFFFE000;
	s16 =	sor.u32 $0x20, s13  }
0x31: {  	s12 =	smul.u32 $0x8100, s12;
	v3 =	vld [tilespmem:s16+$0x10]  }
0x32: {  	s30 =	sand.u32 $0x1, s10;
	v2 =	vld [tilespmem:s16+$0xFFFFFFF0]  }
0x33: {  	s13 =	smul.u32 $0x8100, s30;
	s12 =	sshrl.u32 s12, $0x2;
	v0 =	vld [tilespmem:s16+$0x0]  }
0x34: {  	v1 =	vld [tilespmem:s16+$0xFFFFFFE0];
	s14 =	sor.u32 $0x4000, s12  }
0x35: {  	s31 =	sshrl.u32 s13, $0x2;
	s13 =	sadd.s32 $0x0, s14  }
0x36: {  	s15 =	simm.s32 $0x4;
	s16 =	sadd.s32 $0x40, s16;
	s12 =	sor.u32 $0x4000, s31;
	[tilespmem:s13+$0x1830 ss:$0x81] =	vst.msk $0xffff, v3  }
.LBB1_3:
0x37: {  	v3 =	vld [tilespmem:s16+$0x10];
	p1 =	sne.s32 s15, $0x1FC;
	[tilespmem:s13+$0x810 ss:$0x81] =	vst.msk $0xffff, v2;
	s17 =	smov.u32 s15;
	s15 =	sadd.s32 $0x4, s15  }
.Ltmp3:
0x38: {  	v2 =	vld [tilespmem:s16+$0xFFFFFFF0];
	[tilespmem:s13+$0x1020 ss:$0x81] =	vst.msk $0xffff, v0;
	(pc) =	sbr.rel @p1 .LBB1_3-.Ltmp3, $4  }
0x39: {  	v0 =	vld [tilespmem:s16+$0x0];
	[tilespmem:s13+$0x0 ss:$0x81] =	vst.msk $0xffff, v1  }
0x3a: {  	s13 =	sshra.s32 s17, $0x2;
	v1 =	vld [tilespmem:s16+$0xFFFFFFE0]  }
0x3b: {  	s13 =	sadd.s32 s13, s14  }
0x3c: {  	s16 =	sadd.s32 $0x40, s16;
	[tilespmem:s13+$0x1830 ss:$0x81] =	vst.msk $0xffff, v3  }
.Ltmp4:
0x3d: {  	_ = 	snop;
	(pc) =	sbr.rel .LBB1_4-.Ltmp4, $1  }
0x3e: {  	_ =	sdelay $0x3  }
.LBB1_6:
0x3f: {  	_ =	sfence.sel $0x180000  }
0x40: {  	s2 =	simm.s32 $0x1;
	[bflag:$0x0] =	sbarrier.arrive $0xFFFF  }
0x41: {  	s31 =	simm.s32 $0x2;
	[sflag:s2] =	ssyncpa.u1 $0x1  }
0x42: {  	[sflag:s31] =	ssyncpa.u1 $0x1  }
0x43: {  	p0 =	sne.s32 s0, $0x0;
	_ =	strace $0x9000004A  }
0x44: {  	s0 =	sadd.s32 @!p0 $0x100000, s1;
	[bflag:$0x2] =	sbarrier.arrive $0xFFFF  }
0x45: {  	[sflag:s0] =	ssyncadd.tile.s32 @!p0 $0x1;
	_ =	shalt  }
.Lfunc_end1:
_tile_overlayer_lowered:
.L_overlay_start_2:
0x46: {  	(tag) =	ssettag $0x2  }
0x47: {  	s0 =	rddreg [dreg:$0x0];
	s2 =	stileid.u32  }
0x48: {  	s1 =	rddreg [dreg:$0x1];
	p0 =	sne.s32 s2, $0x0  }
0x49: {  	s3 =	rddreg [dreg:$0x2];
	[bflag:$0x3] =	sbarrier.arrive $0xFFFF;
	s2 =	simm.s32 @!p0 $0x1C01  }
0x4a: {  	[timem:s3], [sflag:s2] =	dma.local @!p0 [hbm:s0], s1  }
0x4b: {  	s0 =	simm.s32 @!p0 $0x1  }
0x4c: {  	_ =	swait.ge @!p0 [sflag:s0], s1  }
0x4d: {  	s1 =	ssub.s32 @!p0 $0x0, s1;
	[sflag:s0] =	ssyncset.done @!p0 $0x0  }
0x4e: {  	[sflag:s0] =	ssyncadd.s32 @!p0 s1  }
0x4f: {  	[bflag:$0x3] =	sbarrier.arrive $0xFFFF  }
0x50: {  	_ =	shalt  }

</sc_bundles>
